<compile_context>
chip_gen: v7x
topology: tpu7x:2x2x1
jax: 0.10.2.dev20260603
libtpu: 0.0.44.dev20260713+nightly
codegen_flags: <defaults>
</compile_context>

<pallas_src>
import functools

import jax
import jax.numpy as jnp
from jax import lax
from jax.experimental import pallas as pl
from jax.experimental.pallas import tpu as pltpu
from jax.experimental.pallas import tpu_sc as plsc

TOPK = 5
QN = 1024
D = 64
N = 100000
G = 32
MB = 4096
GPB = MB // G
NBLK = -(-N // MB)
NG = NBLK * GPB
T = 5
CPQ = T * G
QT = 128
NQT = QN // QT
CTOT = QN * CPQ
PADK = 8

_NEG = float("-inf")
_BIGF = 1e30


def _l2norm(x, eps=1e-12):
    norm = jnp.linalg.norm(x, ord=2, axis=-1, keepdims=True)
    return x / jnp.maximum(norm, eps)


def _gmax_body(qt_ref, m_ref, gv_ref):
    i = pl.program_id(0)
    qt = qt_ref[...]
    m = m_ref[...]
    sims = lax.dot_general(m, qt, (((1,), (0,)), ((), ())),
                           preferred_element_type=jnp.float32)

    @pl.when(i < NBLK - 1)
    def _full():
        gv_ref[...] = jnp.max(sims.reshape(GPB, G, QN), axis=1)

    @pl.when(i == NBLK - 1)
    def _ragged():
        pos = lax.broadcasted_iota(jnp.int32, (MB, QN), 0)
        s = jnp.where(pos + i * MB < N, sims, _NEG)
        gv_ref[...] = jnp.max(s.reshape(GPB, G, QN), axis=1)


def _gmax(qt, mn):
    return pl.pallas_call(
        _gmax_body,
        grid=(NBLK,),
        in_specs=[
            pl.BlockSpec((D, QN), lambda i: (0, 0)),
            pl.BlockSpec((MB, D), lambda i: (i, 0)),
        ],
        out_specs=pl.BlockSpec((GPB, QN), lambda i: (i, 0)),
        out_shape=jax.ShapeDtypeStruct((NG, QN), jnp.float32),
    )(qt, mn)


def _gsel_body(gv_ref, cidx_ref):
    s = gv_ref[...]
    pos = lax.broadcasted_iota(jnp.int32, (NG, QN), 0).astype(jnp.float32)
    picks = []
    for k in range(T):
        mv = jnp.max(s, axis=0, keepdims=True)
        ap = jnp.min(jnp.where(s == mv, pos, _BIGF), axis=0, keepdims=True)
        picks.append(ap)
        if k < T - 1:
            s = jnp.where(pos == ap, _NEG, s)
    gsel = jnp.concatenate(picks, axis=0)
    rep = jnp.broadcast_to(gsel.reshape(T, 1, QN), (T, G, QN))
    rin = lax.broadcasted_iota(jnp.int32, (T, G, QN), 1).astype(jnp.float32)
    cidx = (rep * float(G) + rin).reshape(CPQ, QN)
    cidx_ref[...] = cidx.astype(jnp.int32)


def _gsel(gv):
    return pl.pallas_call(
        _gsel_body,
        out_shape=jax.ShapeDtypeStruct((CPQ, QN), jnp.int32),
    )(gv)


def _rescore_body(rows_ref, qt_ref, cidx_ref, oidx_ref):
    rows = rows_ref[...]
    qtt = qt_ref[...]
    sims2 = lax.dot_general(rows, qtt, (((1,), (0,)), ((), ())),
                            preferred_element_type=jnp.float32)
    col = lax.broadcasted_iota(jnp.int32, (CPQ, QT), 1)
    v = jnp.full((CPQ, QT), _NEG, jnp.float32)
    for j in range(QT):
        v = jnp.where(col == j, sims2[j * CPQ:(j + 1) * CPQ, :], v)

    gidx = cidx_ref[...].astype(jnp.float32)
    posk = lax.broadcasted_iota(jnp.int32, (PADK, QT), 0)
    nidx = jnp.zeros((PADK, QT), jnp.float32)
    for j in range(TOPK):
        mv = jnp.max(v, axis=0, keepdims=True)
        ap = jnp.min(jnp.where(v == mv, gidx, _BIGF), axis=0, keepdims=True)
        nidx = jnp.where(posk == j, ap, nidx)
        if j < TOPK - 1:
            v = jnp.where(gidx == ap, _NEG, v)
    oidx_ref[...] = nidx.astype(jnp.int32)


def _rescore(rowsg, qt, cidx):
    return pl.pallas_call(
        _rescore_body,
        grid=(NQT,),
        in_specs=[
            pl.BlockSpec((QT * CPQ, D), lambda t: (t, 0)),
            pl.BlockSpec((D, QT), lambda t: (0, t)),
            pl.BlockSpec((CPQ, QT), lambda t: (0, t)),
        ],
        out_specs=pl.BlockSpec((PADK, QT), lambda t: (0, t)),
        out_shape=jax.ShapeDtypeStruct((PADK, QN), jnp.int32),
    )(rowsg, qt, cidx)


_NC, _NS = 2, 16
_NW = _NC * _NS


@functools.cache
def _sc_gather_fn(nrows, chunk):
    bpw = nrows // _NW
    nch = bpw // chunk
    mesh = plsc.VectorSubcoreMesh(core_axis_name="c", subcore_axis_name="s")

    @functools.partial(
        pl.kernel,
        mesh=mesh,
        out_type=jax.ShapeDtypeStruct((nrows, D), jnp.float32),
        scratch_types=[
            pltpu.VMEM((chunk,), jnp.int32),
            pltpu.VMEM((chunk,), jnp.int32),
            pltpu.VMEM((chunk, D), jnp.float32),
            pltpu.VMEM((chunk, D), jnp.float32),
            pltpu.SemaphoreType.DMA,
            pltpu.SemaphoreType.DMA,
        ],
        compiler_params=pltpu.CompilerParams(use_tc_tiling_on_sc=False),
    )
    def _sc_gather(table_hbm, idx_hbm, out_hbm, idx0, idx1, rows0, rows1,
                   sem0, sem1):
        wid = lax.axis_index("s") * _NC + lax.axis_index("c")
        base = wid * bpw
        idxb, rowb, semb = (idx0, idx1), (rows0, rows1), (sem0, sem1)
        pltpu.sync_copy(idx_hbm.at[pl.ds(base, chunk)], idx0)
        handles = [pltpu.async_copy(table_hbm.at[idx0], rows0, sem0)]
        for ch in range(nch):
            if ch + 1 < nch:
                b = (ch + 1) % 2
                pltpu.sync_copy(
                    idx_hbm.at[pl.ds(base + (ch + 1) * chunk, chunk)], idxb[b])
                handles.append(
                    pltpu.async_copy(table_hbm.at[idxb[b]], rowb[b], semb[b]))
            handles[ch].wait()
            pltpu.sync_copy(rowb[ch % 2],
                            out_hbm.at[pl.ds(base + ch * chunk, chunk)])

    return _sc_gather


def kernel(query_embedding, memory_bank):
    qn = _l2norm(query_embedding)
    mn = _l2norm(memory_bank)
    qt = qn.T
    gv = _gmax(qt, mn)
    cidx = _gsel(gv)
    cflat = cidx.T.reshape(CTOT)
    rowsg = _sc_gather_fn(CTOT, 512)(mn, cflat)
    oidx = _rescore(rowsg, qt, cidx)
    idx = oidx[:TOPK, :].T.reshape(QN * TOPK)
    rows = _sc_gather_fn(QN * TOPK, 160)(memory_bank, idx)
    return rows.reshape(QN, TOPK, D)

# --- scband reference (transcript-rebuilt; emitter-appended) ---
"""Pipeline reference for scband-long-term-memory-893353197938 (READ-ONLY COPY).

The authoritative reference and input builder live on the scoring server;
editing this copy changes nothing except your own understanding.
"""

import jax, jax.numpy as jnp
import numpy as np

TOP_K = 5

def _l2_normalize(x, eps=1e-12):
    # matches torch.nn.functional.normalize(p=2, dim=-1)
    norm = jnp.linalg.norm(x, ord=2, axis=-1, keepdims=True)
    return x / jnp.maximum(norm, eps)

def setup_inputs(seed: int = 0) -> dict:
    key = jax.random.key(seed)
    k1, k2 = jax.random.split(key)
    query_embedding = jax.random.normal(k1, (1024, 64), dtype=jnp.float32)
    memory_bank = jax.random.normal(k2, (100000, 64), dtype=jnp.float32)
    return {"query_embedding": query_embedding, "memory_bank": memory_bank}

def reference(query_embedding, memory_bank):
    # LongTermMemory.retrieve with a full memory bank
    query_norm = _l2_normalize(query_embedding)
    memory_norm = _l2_normalize(memory_bank)
    similarities = jnp.matmul(query_norm, memory_norm.T)  # [Q, M]
    top_k_values, top_k_indices = jax.lax.top_k(similarities, TOP_K)  # [Q, k]
    retrieved_memories = memory_bank[top_k_indices]  # gather -> [Q, k, d]
    return retrieved_memories

if __name__ == "__main__":
    import jax
    _d = setup_inputs()
    print(jax.jit(kernel)(*tuple(_d.values())))

</pallas_src>

<mosaic_0001>
#map = affine_map<(d0, d1) -> (0, 0)>
#map1 = affine_map<(d0, d1) -> (0)>
module attributes {stable_mosaic.version = 14 : i64} {
  func.func @_sc_gather(%arg0: i32, %arg1: i32, %arg2: memref<100000x64xf32, #tpu.memory_space<hbm>>, %arg3: memref<163840xi32, #tpu.memory_space<hbm>>, %arg4: memref<163840x64xf32, #tpu.memory_space<hbm>>, %arg5: memref<512xi32, #tpu.memory_space<vmem>>, %arg6: memref<512xi32, #tpu.memory_space<vmem>>, %arg7: memref<512x64xf32, #tpu.memory_space<vmem>>, %arg8: memref<512x64xf32, #tpu.memory_space<vmem>>, %arg9: memref<!tpu.dma_semaphore, #tpu.memory_space<semaphore_mem>>, %arg10: memref<!tpu.dma_semaphore, #tpu.memory_space<semaphore_mem>>) attributes {dimension_semantics = [#tpu.dimension_semantics<core_parallel>, #tpu.dimension_semantics<subcore_parallel>], iteration_bounds = array<i64: 2, 16>, scalar_prefetch = 0 : i64, scratch_operands = 6 : i64, tpu.core_type = #tpu.core_type<sc_vector_subcore>, window_params = [{transform_indices = #map}, {transform_indices = #map1}, {transform_indices = #map}]} {
    %mul3A = arith.constant 2 : i32
    %mul3A_0 = arith.muli %arg1, %mul3A : i32
    %add3A = arith.addi %mul3A_0, %arg0 : i32
    %mul3A_1 = arith.constant 5120 : i32
    %mul3A_2 = arith.muli %add3A, %mul3A_1 : i32
    "tpu.region"() ({
      %run_scoped3A = tpu.sem_alloc : memref<!tpu.dma_semaphore, #tpu.memory_space<semaphore_mem>>
      %dma_start3A_99 = tpu.memref_slice %arg3[%mul3A_2] : memref<163840xi32, #tpu.memory_space<hbm>> -> memref<512xi32, #tpu.memory_space<hbm>>
      %dma_start3A_100 = tpu.memref_slice %arg3[%mul3A_2] : memref<163840xi32, #tpu.memory_space<hbm>> -> memref<512xi32, #tpu.memory_space<hbm>>
      tpu.enqueue_dma source(%dma_start3A_100 : memref<512xi32, #tpu.memory_space<hbm>>) target(%arg5 : memref<512xi32, #tpu.memory_space<vmem>>) target_semaphore(%run_scoped3A : memref<!tpu.dma_semaphore, #tpu.memory_space<semaphore_mem>>)
      %dma_wait3A_101 = tpu.memref_slice %arg3[%mul3A_2] : memref<163840xi32, #tpu.memory_space<hbm>> -> memref<512xi32, #tpu.memory_space<hbm>>
      %dma_wait3A_102 = tpu.memref_slice %arg3[%mul3A_2] : memref<163840xi32, #tpu.memory_space<hbm>> -> memref<512xi32, #tpu.memory_space<hbm>>
      tpu.wait_dma2 semaphore(%run_scoped3A : memref<!tpu.dma_semaphore, #tpu.memory_space<semaphore_mem>>) src(%dma_wait3A_102 : memref<512xi32, #tpu.memory_space<hbm>>) dst(%arg5 : memref<512xi32, #tpu.memory_space<vmem>>)
      tpu.yield
    }) : () -> ()
    %dma_start3A = arith.constant 0 : i32
    %dma_start3A_3 = arith.constant 0 : i32
    %dma_start3A_4 = tpu.memref_slice %arg2[%dma_start3A, %dma_start3A_3] : memref<100000x64xf32, #tpu.memory_space<hbm>> -> memref<100000x64xf32, #tpu.memory_space<hbm>>
    tpu.enqueue_indirect_dma source(%dma_start3A_4 : memref<100000x64xf32, #tpu.memory_space<hbm>>) target(%arg7 : memref<512x64xf32, #tpu.memory_space<vmem>>) offsets(%arg5 : memref<512xi32, #tpu.memory_space<vmem>>) semaphore(%arg9 : memref<!tpu.dma_semaphore, #tpu.memory_space<semaphore_mem>>)
    %add3A_5 = arith.constant 512 : i32
    %add3A_6 = arith.addi %mul3A_2, %add3A_5 : i32
    "tpu.region"() ({
      %run_scoped3A = tpu.sem_alloc : memref<!tpu.dma_semaphore, #tpu.memory_space<semaphore_mem>>
      %dma_start3A_99 = tpu.memref_slice %arg3[%add3A_6] : memref<163840xi32, #tpu.memory_space<hbm>> -> memref<512xi32, #tpu.memory_space<hbm>>
      %dma_start3A_100 = tpu.memref_slice %arg3[%add3A_6] : memref<163840xi32, #tpu.memory_space<hbm>> -> memref<512xi32, #tpu.memory_space<hbm>>
      tpu.enqueue_dma source(%dma_start3A_100 : memref<512xi32, #tpu.memory_space<hbm>>) target(%arg6 : memref<512xi32, #tpu.memory_space<vmem>>) target_semaphore(%run_scoped3A : memref<!tpu.dma_semaphore, #tpu.memory_space<semaphore_mem>>)
      %dma_wait3A_101 = tpu.memref_slice %arg3[%add3A_6] : memref<163840xi32, #tpu.memory_space<hbm>> -> memref<512xi32, #tpu.memory_space<hbm>>
      %dma_wait3A_102 = tpu.memref_slice %arg3[%add3A_6] : memref<163840xi32, #tpu.memory_space<hbm>> -> memref<512xi32, #tpu.memory_space<hbm>>
      tpu.wait_dma2 semaphore(%run_scoped3A : memref<!tpu.dma_semaphore, #tpu.memory_space<semaphore_mem>>) src(%dma_wait3A_102 : memref<512xi32, #tpu.memory_space<hbm>>) dst(%arg6 : memref<512xi32, #tpu.memory_space<vmem>>)
      tpu.yield
    }) : () -> ()
    %dma_start3A_7 = arith.constant 0 : i32
    %dma_start3A_8 = arith.constant 0 : i32
    %dma_start3A_9 = tpu.memref_slice %arg2[%dma_start3A_7, %dma_start3A_8] : memref<100000x64xf32, #tpu.memory_space<hbm>> -> memref<100000x64xf32, #tpu.memory_space<hbm>>
    tpu.enqueue_indirect_dma source(%dma_start3A_9 : memref<100000x64xf32, #tpu.memory_space<hbm>>) target(%arg8 : memref<512x64xf32, #tpu.memory_space<vmem>>) offsets(%arg6 : memref<512xi32, #tpu.memory_space<vmem>>) semaphore(%arg10 : memref<!tpu.dma_semaphore, #tpu.memory_space<semaphore_mem>>)
    %dma_wait3A = arith.constant 0 : i32
    %dma_wait3A_10 = arith.constant 0 : i32
    %dma_wait3A_11 = tpu.memref_slice %arg2[%dma_wait3A, %dma_wait3A_10] : memref<100000x64xf32, #tpu.memory_space<hbm>> -> memref<100000x64xf32, #tpu.memory_space<hbm>>
    tpu.wait_indirect_dma semaphore(%arg9 : memref<!tpu.dma_semaphore, #tpu.memory_space<semaphore_mem>>) src(%dma_wait3A_11 : memref<100000x64xf32, #tpu.memory_space<hbm>>) dst(%arg7 : memref<512x64xf32, #tpu.memory_space<vmem>>)
    %add3A_12 = arith.constant 0 : i32
    %add3A_13 = arith.addi %mul3A_2, %add3A_12 : i32
    "tpu.region"() ({
      %run_scoped3A = tpu.sem_alloc : memref<!tpu.dma_semaphore, #tpu.memory_space<semaphore_mem>>
      %dma_start3A_99 = arith.constant 0 : i32
      %dma_start3A_100 = tpu.memref_slice %arg4[%add3A_13, %dma_start3A_99] : memref<163840x64xf32, #tpu.memory_space<hbm>> -> memref<512x64xf32, #tpu.memory_space<hbm>>
      %dma_start3A_101 = arith.constant 0 : i32
      %dma_start3A_102 = tpu.memref_slice %arg4[%add3A_13, %dma_start3A_101] : memref<163840x64xf32, #tpu.memory_space<hbm>> -> memref<512x64xf32, #tpu.memory_space<hbm>>
      tpu.enqueue_dma source(%arg7 : memref<512x64xf32, #tpu.memory_space<vmem>>) target(%dma_start3A_102 : memref<512x64xf32, #tpu.memory_space<hbm>>) target_semaphore(%run_scoped3A : memref<!tpu.dma_semaphore, #tpu.memory_space<semaphore_mem>>)
      %dma_wait3A_103 = arith.constant 0 : i32
      %dma_wait3A_104 = tpu.memref_slice %arg4[%add3A_13, %dma_wait3A_103] : memref<163840x64xf32, #tpu.memory_space<hbm>> -> memref<512x64xf32, #tpu.memory_space<hbm>>
      %dma_wait3A_105 = arith.constant 0 : i32
      %dma_wait3A_106 = tpu.memref_slice %arg4[%add3A_13, %dma_wait3A_105] : memref<163840x64xf32, #tpu.memory_space<hbm>> -> memref<512x64xf32, #tpu.memory_space<hbm>>
      tpu.wait_dma2 semaphore(%run_scoped3A : memref<!tpu.dma_semaphore, #tpu.memory_space<semaphore_mem>>) src(%arg7 : memref<512x64xf32, #tpu.memory_space<vmem>>) dst(%dma_wait3A_106 : memref<512x64xf32, #tpu.memory_space<hbm>>)
      tpu.yield
    }) : () -> ()
    %add3A_14 = arith.constant 1024 : i32
    %add3A_15 = arith.addi %mul3A_2, %add3A_14 : i32
    "tpu.region"() ({
      %run_scoped3A = tpu.sem_alloc : memref<!tpu.dma_semaphore, #tpu.memory_space<semaphore_mem>>
      %dma_start3A_99 = tpu.memref_slice %arg3[%add3A_15] : memref<163840xi32, #tpu.memory_space<hbm>> -> memref<512xi32, #tpu.memory_space<hbm>>
      %dma_start3A_100 = tpu.memref_slice %arg3[%add3A_15] : memref<163840xi32, #tpu.memory_space<hbm>> -> memref<512xi32, #tpu.memory_space<hbm>>
      tpu.enqueue_dma source(%dma_start3A_100 : memref<512xi32, #tpu.memory_space<hbm>>) target(%arg5 : memref<512xi32, #tpu.memory_space<vmem>>) target_semaphore(%run_scoped3A : memref<!tpu.dma_semaphore, #tpu.memory_space<semaphore_mem>>)
      %dma_wait3A_101 = tpu.memref_slice %arg3[%add3A_15] : memref<163840xi32, #tpu.memory_space<hbm>> -> memref<512xi32, #tpu.memory_space<hbm>>
      %dma_wait3A_102 = tpu.memref_slice %arg3[%add3A_15] : memref<163840xi32, #tpu.memory_space<hbm>> -> memref<512xi32, #tpu.memory_space<hbm>>
      tpu.wait_dma2 semaphore(%run_scoped3A : memref<!tpu.dma_semaphore, #tpu.memory_space<semaphore_mem>>) src(%dma_wait3A_102 : memref<512xi32, #tpu.memory_space<hbm>>) dst(%arg5 : memref<512xi32, #tpu.memory_space<vmem>>)
      tpu.yield
    }) : () -> ()
    %dma_start3A_16 = arith.constant 0 : i32
    %dma_start3A_17 = arith.constant 0 : i32
    %dma_start3A_18 = tpu.memref_slice %arg2[%dma_start3A_16, %dma_start3A_17] : memref<100000x64xf32, #tpu.memory_space<hbm>> -> memref<100000x64xf32, #tpu.memory_space<hbm>>
    tpu.enqueue_indirect_dma source(%dma_start3A_18 : memref<100000x64xf32, #tpu.memory_space<hbm>>) target(%arg7 : memref<512x64xf32, #tpu.memory_space<vmem>>) offsets(%arg5 : memref<512xi32, #tpu.memory_space<vmem>>) semaphore(%arg9 : memref<!tpu.dma_semaphore, #tpu.memory_space<semaphore_mem>>)
    %dma_wait3A_19 = arith.constant 0 : i32
    %dma_wait3A_20 = arith.constant 0 : i32
    %dma_wait3A_21 = tpu.memref_slice %arg2[%dma_wait3A_19, %dma_wait3A_20] : memref<100000x64xf32, #tpu.memory_space<hbm>> -> memref<100000x64xf32, #tpu.memory_space<hbm>>
    tpu.wait_indirect_dma semaphore(%arg10 : memref<!tpu.dma_semaphore, #tpu.memory_space<semaphore_mem>>) src(%dma_wait3A_21 : memref<100000x64xf32, #tpu.memory_space<hbm>>) dst(%arg8 : memref<512x64xf32, #tpu.memory_space<vmem>>)
    %add3A_22 = arith.constant 512 : i32
    %add3A_23 = arith.addi %mul3A_2, %add3A_22 : i32
    "tpu.region"() ({
      %run_scoped3A = tpu.sem_alloc : memref<!tpu.dma_semaphore, #tpu.memory_space<semaphore_mem>>
      %dma_start3A_99 = arith.constant 0 : i32
      %dma_start3A_100 = tpu.memref_slice %arg4[%add3A_23, %dma_start3A_99] : memref<163840x64xf32, #tpu.memory_space<hbm>> -> memref<512x64xf32, #tpu.memory_space<hbm>>
      %dma_start3A_101 = arith.constant 0 : i32
      %dma_start3A_102 = tpu.memref_slice %arg4[%add3A_23, %dma_start3A_101] : memref<163840x64xf32, #tpu.memory_space<hbm>> -> memref<512x64xf32, #tpu.memory_space<hbm>>
      tpu.enqueue_dma source(%arg8 : memref<512x64xf32, #tpu.memory_space<vmem>>) target(%dma_start3A_102 : memref<512x64xf32, #tpu.memory_space<hbm>>) target_semaphore(%run_scoped3A : memref<!tpu.dma_semaphore, #tpu.memory_space<semaphore_mem>>)
      %dma_wait3A_103 = arith.constant 0 : i32
      %dma_wait3A_104 = tpu.memref_slice %arg4[%add3A_23, %dma_wait3A_103] : memref<163840x64xf32, #tpu.memory_space<hbm>> -> memref<512x64xf32, #tpu.memory_space<hbm>>
      %dma_wait3A_105 = arith.constant 0 : i32
      %dma_wait3A_106 = tpu.memref_slice %arg4[%add3A_23, %dma_wait3A_105] : memref<163840x64xf32, #tpu.memory_space<hbm>> -> memref<512x64xf32, #tpu.memory_space<hbm>>
      tpu.wait_dma2 semaphore(%run_scoped3A : memref<!tpu.dma_semaphore, #tpu.memory_space<semaphore_mem>>) src(%arg8 : memref<512x64xf32, #tpu.memory_space<vmem>>) dst(%dma_wait3A_106 : memref<512x64xf32, #tpu.memory_space<hbm>>)
      tpu.yield
    }) : () -> ()
    %add3A_24 = arith.constant 1536 : i32
    %add3A_25 = arith.addi %mul3A_2, %add3A_24 : i32
    "tpu.region"() ({
      %run_scoped3A = tpu.sem_alloc : memref<!tpu.dma_semaphore, #tpu.memory_space<semaphore_mem>>
      %dma_start3A_99 = tpu.memref_slice %arg3[%add3A_25] : memref<163840xi32, #tpu.memory_space<hbm>> -> memref<512xi32, #tpu.memory_space<hbm>>
      %dma_start3A_100 = tpu.memref_slice %arg3[%add3A_25] : memref<163840xi32, #tpu.memory_space<hbm>> -> memref<512xi32, #tpu.memory_space<hbm>>
      tpu.enqueue_dma source(%dma_start3A_100 : memref<512xi32, #tpu.memory_space<hbm>>) target(%arg6 : memref<512xi32, #tpu.memory_space<vmem>>) target_semaphore(%run_scoped3A : memref<!tpu.dma_semaphore, #tpu.memory_space<semaphore_mem>>)
      %dma_wait3A_101 = tpu.memref_slice %arg3[%add3A_25] : memref<163840xi32, #tpu.memory_space<hbm>> -> memref<512xi32, #tpu.memory_space<hbm>>
      %dma_wait3A_102 = tpu.memref_slice %arg3[%add3A_25] : memref<163840xi32, #tpu.memory_space<hbm>> -> memref<512xi32, #tpu.memory_space<hbm>>
      tpu.wait_dma2 semaphore(%run_scoped3A : memref<!tpu.dma_semaphore, #tpu.memory_space<semaphore_mem>>) src(%dma_wait3A_102 : memref<512xi32, #tpu.memory_space<hbm>>) dst(%arg6 : memref<512xi32, #tpu.memory_space<vmem>>)
      tpu.yield
    }) : () -> ()
    %dma_start3A_26 = arith.constant 0 : i32
    %dma_start3A_27 = arith.constant 0 : i32
    %dma_start3A_28 = tpu.memref_slice %arg2[%dma_start3A_26, %dma_start3A_27] : memref<100000x64xf32, #tpu.memory_space<hbm>> -> memref<100000x64xf32, #tpu.memory_space<hbm>>
    tpu.enqueue_indirect_dma source(%dma_start3A_28 : memref<100000x64xf32, #tpu.memory_space<hbm>>) target(%arg8 : memref<512x64xf32, #tpu.memory_space<vmem>>) offsets(%arg6 : memref<512xi32, #tpu.memory_space<vmem>>) semaphore(%arg10 : memref<!tpu.dma_semaphore, #tpu.memory_space<semaphore_mem>>)
    %dma_wait3A_29 = arith.constant 0 : i32
    %dma_wait3A_30 = arith.constant 0 : i32
    %dma_wait3A_31 = tpu.memref_slice %arg2[%dma_wait3A_29, %dma_wait3A_30] : memref<100000x64xf32, #tpu.memory_space<hbm>> -> memref<100000x64xf32, #tpu.memory_space<hbm>>
    tpu.wait_indirect_dma semaphore(%arg9 : memref<!tpu.dma_semaphore, #tpu.memory_space<semaphore_mem>>) src(%dma_wait3A_31 : memref<100000x64xf32, #tpu.memory_space<hbm>>) dst(%arg7 : memref<512x64xf32, #tpu.memory_space<vmem>>)
    %add3A_32 = arith.constant 1024 : i32
    %add3A_33 = arith.addi %mul3A_2, %add3A_32 : i32
    "tpu.region"() ({
      %run_scoped3A = tpu.sem_alloc : memref<!tpu.dma_semaphore, #tpu.memory_space<semaphore_mem>>
      %dma_start3A_99 = arith.constant 0 : i32
      %dma_start3A_100 = tpu.memref_slice %arg4[%add3A_33, %dma_start3A_99] : memref<163840x64xf32, #tpu.memory_space<hbm>> -> memref<512x64xf32, #tpu.memory_space<hbm>>
      %dma_start3A_101 = arith.constant 0 : i32
      %dma_start3A_102 = tpu.memref_slice %arg4[%add3A_33, %dma_start3A_101] : memref<163840x64xf32, #tpu.memory_space<hbm>> -> memref<512x64xf32, #tpu.memory_space<hbm>>
      tpu.enqueue_dma source(%arg7 : memref<512x64xf32, #tpu.memory_space<vmem>>) target(%dma_start3A_102 : memref<512x64xf32, #tpu.memory_space<hbm>>) target_semaphore(%run_scoped3A : memref<!tpu.dma_semaphore, #tpu.memory_space<semaphore_mem>>)
      %dma_wait3A_103 = arith.constant 0 : i32
      %dma_wait3A_104 = tpu.memref_slice %arg4[%add3A_33, %dma_wait3A_103] : memref<163840x64xf32, #tpu.memory_space<hbm>> -> memref<512x64xf32, #tpu.memory_space<hbm>>
      %dma_wait3A_105 = arith.constant 0 : i32
      %dma_wait3A_106 = tpu.memref_slice %arg4[%add3A_33, %dma_wait3A_105] : memref<163840x64xf32, #tpu.memory_space<hbm>> -> memref<512x64xf32, #tpu.memory_space<hbm>>
      tpu.wait_dma2 semaphore(%run_scoped3A : memref<!tpu.dma_semaphore, #tpu.memory_space<semaphore_mem>>) src(%arg7 : memref<512x64xf32, #tpu.memory_space<vmem>>) dst(%dma_wait3A_106 : memref<512x64xf32, #tpu.memory_space<hbm>>)
      tpu.yield
    }) : () -> ()
    %add3A_34 = arith.constant 2048 : i32
    %add3A_35 = arith.addi %mul3A_2, %add3A_34 : i32
    "tpu.region"() ({
      %run_scoped3A = tpu.sem_alloc : memref<!tpu.dma_semaphore, #tpu.memory_space<semaphore_mem>>
      %dma_start3A_99 = tpu.memref_slice %arg3[%add3A_35] : memref<163840xi32, #tpu.memory_space<hbm>> -> memref<512xi32, #tpu.memory_space<hbm>>
      %dma_start3A_100 = tpu.memref_slice %arg3[%add3A_35] : memref<163840xi32, #tpu.memory_space<hbm>> -> memref<512xi32, #tpu.memory_space<hbm>>
      tpu.enqueue_dma source(%dma_start3A_100 : memref<512xi32, #tpu.memory_space<hbm>>) target(%arg5 : memref<512xi32, #tpu.memory_space<vmem>>) target_semaphore(%run_scoped3A : memref<!tpu.dma_semaphore, #tpu.memory_space<semaphore_mem>>)
      %dma_wait3A_101 = tpu.memref_slice %arg3[%add3A_35] : memref<163840xi32, #tpu.memory_space<hbm>> -> memref<512xi32, #tpu.memory_space<hbm>>
      %dma_wait3A_102 = tpu.memref_slice %arg3[%add3A_35] : memref<163840xi32, #tpu.memory_space<hbm>> -> memref<512xi32, #tpu.memory_space<hbm>>
      tpu.wait_dma2 semaphore(%run_scoped3A : memref<!tpu.dma_semaphore, #tpu.memory_space<semaphore_mem>>) src(%dma_wait3A_102 : memref<512xi32, #tpu.memory_space<hbm>>) dst(%arg5 : memref<512xi32, #tpu.memory_space<vmem>>)
      tpu.yield
    }) : () -> ()
    %dma_start3A_36 = arith.constant 0 : i32
    %dma_start3A_37 = arith.constant 0 : i32
    %dma_start3A_38 = tpu.memref_slice %arg2[%dma_start3A_36, %dma_start3A_37] : memref<100000x64xf32, #tpu.memory_space<hbm>> -> memref<100000x64xf32, #tpu.memory_space<hbm>>
    tpu.enqueue_indirect_dma source(%dma_start3A_38 : memref<100000x64xf32, #tpu.memory_space<hbm>>) target(%arg7 : memref<512x64xf32, #tpu.memory_space<vmem>>) offsets(%arg5 : memref<512xi32, #tpu.memory_space<vmem>>) semaphore(%arg9 : memref<!tpu.dma_semaphore, #tpu.memory_space<semaphore_mem>>)
    %dma_wait3A_39 = arith.constant 0 : i32
    %dma_wait3A_40 = arith.constant 0 : i32
    %dma_wait3A_41 = tpu.memref_slice %arg2[%dma_wait3A_39, %dma_wait3A_40] : memref<100000x64xf32, #tpu.memory_space<hbm>> -> memref<100000x64xf32, #tpu.memory_space<hbm>>
    tpu.wait_indirect_dma semaphore(%arg10 : memref<!tpu.dma_semaphore, #tpu.memory_space<semaphore_mem>>) src(%dma_wait3A_41 : memref<100000x64xf32, #tpu.memory_space<hbm>>) dst(%arg8 : memref<512x64xf32, #tpu.memory_space<vmem>>)
    %add3A_42 = arith.constant 1536 : i32
    %add3A_43 = arith.addi %mul3A_2, %add3A_42 : i32
    "tpu.region"() ({
      %run_scoped3A = tpu.sem_alloc : memref<!tpu.dma_semaphore, #tpu.memory_space<semaphore_mem>>
      %dma_start3A_99 = arith.constant 0 : i32
      %dma_start3A_100 = tpu.memref_slice %arg4[%add3A_43, %dma_start3A_99] : memref<163840x64xf32, #tpu.memory_space<hbm>> -> memref<512x64xf32, #tpu.memory_space<hbm>>
      %dma_start3A_101 = arith.constant 0 : i32
      %dma_start3A_102 = tpu.memref_slice %arg4[%add3A_43, %dma_start3A_101] : memref<163840x64xf32, #tpu.memory_space<hbm>> -> memref<512x64xf32, #tpu.memory_space<hbm>>
      tpu.enqueue_dma source(%arg8 : memref<512x64xf32, #tpu.memory_space<vmem>>) target(%dma_start3A_102 : memref<512x64xf32, #tpu.memory_space<hbm>>) target_semaphore(%run_scoped3A : memref<!tpu.dma_semaphore, #tpu.memory_space<semaphore_mem>>)
      %dma_wait3A_103 = arith.constant 0 : i32
      %dma_wait3A_104 = tpu.memref_slice %arg4[%add3A_43, %dma_wait3A_103] : memref<163840x64xf32, #tpu.memory_space<hbm>> -> memref<512x64xf32, #tpu.memory_space<hbm>>
      %dma_wait3A_105 = arith.constant 0 : i32
      %dma_wait3A_106 = tpu.memref_slice %arg4[%add3A_43, %dma_wait3A_105] : memref<163840x64xf32, #tpu.memory_space<hbm>> -> memref<512x64xf32, #tpu.memory_space<hbm>>
      tpu.wait_dma2 semaphore(%run_scoped3A : memref<!tpu.dma_semaphore, #tpu.memory_space<semaphore_mem>>) src(%arg8 : memref<512x64xf32, #tpu.memory_space<vmem>>) dst(%dma_wait3A_106 : memref<512x64xf32, #tpu.memory_space<hbm>>)
      tpu.yield
    }) : () -> ()
    %add3A_44 = arith.constant 2560 : i32
    %add3A_45 = arith.addi %mul3A_2, %add3A_44 : i32
    "tpu.region"() ({
      %run_scoped3A = tpu.sem_alloc : memref<!tpu.dma_semaphore, #tpu.memory_space<semaphore_mem>>
      %dma_start3A_99 = tpu.memref_slice %arg3[%add3A_45] : memref<163840xi32, #tpu.memory_space<hbm>> -> memref<512xi32, #tpu.memory_space<hbm>>
      %dma_start3A_100 = tpu.memref_slice %arg3[%add3A_45] : memref<163840xi32, #tpu.memory_space<hbm>> -> memref<512xi32, #tpu.memory_space<hbm>>
      tpu.enqueue_dma source(%dma_start3A_100 : memref<512xi32, #tpu.memory_space<hbm>>) target(%arg6 : memref<512xi32, #tpu.memory_space<vmem>>) target_semaphore(%run_scoped3A : memref<!tpu.dma_semaphore, #tpu.memory_space<semaphore_mem>>)
      %dma_wait3A_101 = tpu.memref_slice %arg3[%add3A_45] : memref<163840xi32, #tpu.memory_space<hbm>> -> memref<512xi32, #tpu.memory_space<hbm>>
      %dma_wait3A_102 = tpu.memref_slice %arg3[%add3A_45] : memref<163840xi32, #tpu.memory_space<hbm>> -> memref<512xi32, #tpu.memory_space<hbm>>
      tpu.wait_dma2 semaphore(%run_scoped3A : memref<!tpu.dma_semaphore, #tpu.memory_space<semaphore_mem>>) src(%dma_wait3A_102 : memref<512xi32, #tpu.memory_space<hbm>>) dst(%arg6 : memref<512xi32, #tpu.memory_space<vmem>>)
      tpu.yield
    }) : () -> ()
    %dma_start3A_46 = arith.constant 0 : i32
    %dma_start3A_47 = arith.constant 0 : i32
    %dma_start3A_48 = tpu.memref_slice %arg2[%dma_start3A_46, %dma_start3A_47] : memref<100000x64xf32, #tpu.memory_space<hbm>> -> memref<100000x64xf32, #tpu.memory_space<hbm>>
    tpu.enqueue_indirect_dma source(%dma_start3A_48 : memref<100000x64xf32, #tpu.memory_space<hbm>>) target(%arg8 : memref<512x64xf32, #tpu.memory_space<vmem>>) offsets(%arg6 : memref<512xi32, #tpu.memory_space<vmem>>) semaphore(%arg10 : memref<!tpu.dma_semaphore, #tpu.memory_space<semaphore_mem>>)
    %dma_wait3A_49 = arith.constant 0 : i32
    %dma_wait3A_50 = arith.constant 0 : i32
    %dma_wait3A_51 = tpu.memref_slice %arg2[%dma_wait3A_49, %dma_wait3A_50] : memref<100000x64xf32, #tpu.memory_space<hbm>> -> memref<100000x64xf32, #tpu.memory_space<hbm>>
    tpu.wait_indirect_dma semaphore(%arg9 : memref<!tpu.dma_semaphore, #tpu.memory_space<semaphore_mem>>) src(%dma_wait3A_51 : memref<100000x64xf32, #tpu.memory_space<hbm>>) dst(%arg7 : memref<512x64xf32, #tpu.memory_space<vmem>>)
    %add3A_52 = arith.constant 2048 : i32
    %add3A_53 = arith.addi %mul3A_2, %add3A_52 : i32
    "tpu.region"() ({
      %run_scoped3A = tpu.sem_alloc : memref<!tpu.dma_semaphore, #tpu.memory_space<semaphore_mem>>
      %dma_start3A_99 = arith.constant 0 : i32
      %dma_start3A_100 = tpu.memref_slice %arg4[%add3A_53, %dma_start3A_99] : memref<163840x64xf32, #tpu.memory_space<hbm>> -> memref<512x64xf32, #tpu.memory_space<hbm>>
      %dma_start3A_101 = arith.constant 0 : i32
      %dma_start3A_102 = tpu.memref_slice %arg4[%add3A_53, %dma_start3A_101] : memref<163840x64xf32, #tpu.memory_space<hbm>> -> memref<512x64xf32, #tpu.memory_space<hbm>>
      tpu.enqueue_dma source(%arg7 : memref<512x64xf32, #tpu.memory_space<vmem>>) target(%dma_start3A_102 : memref<512x64xf32, #tpu.memory_space<hbm>>) target_semaphore(%run_scoped3A : memref<!tpu.dma_semaphore, #tpu.memory_space<semaphore_mem>>)
      %dma_wait3A_103 = arith.constant 0 : i32
      %dma_wait3A_104 = tpu.memref_slice %arg4[%add3A_53, %dma_wait3A_103] : memref<163840x64xf32, #tpu.memory_space<hbm>> -> memref<512x64xf32, #tpu.memory_space<hbm>>
      %dma_wait3A_105 = arith.constant 0 : i32
      %dma_wait3A_106 = tpu.memref_slice %arg4[%add3A_53, %dma_wait3A_105] : memref<163840x64xf32, #tpu.memory_space<hbm>> -> memref<512x64xf32, #tpu.memory_space<hbm>>
      tpu.wait_dma2 semaphore(%run_scoped3A : memref<!tpu.dma_semaphore, #tpu.memory_space<semaphore_mem>>) src(%arg7 : memref<512x64xf32, #tpu.memory_space<vmem>>) dst(%dma_wait3A_106 : memref<512x64xf32, #tpu.memory_space<hbm>>)
      tpu.yield
    }) : () -> ()
    %add3A_54 = arith.constant 3072 : i32
    %add3A_55 = arith.addi %mul3A_2, %add3A_54 : i32
    "tpu.region"() ({
      %run_scoped3A = tpu.sem_alloc : memref<!tpu.dma_semaphore, #tpu.memory_space<semaphore_mem>>
      %dma_start3A_99 = tpu.memref_slice %arg3[%add3A_55] : memref<163840xi32, #tpu.memory_space<hbm>> -> memref<512xi32, #tpu.memory_space<hbm>>
      %dma_start3A_100 = tpu.memref_slice %arg3[%add3A_55] : memref<163840xi32, #tpu.memory_space<hbm>> -> memref<512xi32, #tpu.memory_space<hbm>>
      tpu.enqueue_dma source(%dma_start3A_100 : memref<512xi32, #tpu.memory_space<hbm>>) target(%arg5 : memref<512xi32, #tpu.memory_space<vmem>>) target_semaphore(%run_scoped3A : memref<!tpu.dma_semaphore, #tpu.memory_space<semaphore_mem>>)
      %dma_wait3A_101 = tpu.memref_slice %arg3[%add3A_55] : memref<163840xi32, #tpu.memory_space<hbm>> -> memref<512xi32, #tpu.memory_space<hbm>>
      %dma_wait3A_102 = tpu.memref_slice %arg3[%add3A_55] : memref<163840xi32, #tpu.memory_space<hbm>> -> memref<512xi32, #tpu.memory_space<hbm>>
      tpu.wait_dma2 semaphore(%run_scoped3A : memref<!tpu.dma_semaphore, #tpu.memory_space<semaphore_mem>>) src(%dma_wait3A_102 : memref<512xi32, #tpu.memory_space<hbm>>) dst(%arg5 : memref<512xi32, #tpu.memory_space<vmem>>)
      tpu.yield
    }) : () -> ()
    %dma_start3A_56 = arith.constant 0 : i32
    %dma_start3A_57 = arith.constant 0 : i32
    %dma_start3A_58 = tpu.memref_slice %arg2[%dma_start3A_56, %dma_start3A_57] : memref<100000x64xf32, #tpu.memory_space<hbm>> -> memref<100000x64xf32, #tpu.memory_space<hbm>>
    tpu.enqueue_indirect_dma source(%dma_start3A_58 : memref<100000x64xf32, #tpu.memory_space<hbm>>) target(%arg7 : memref<512x64xf32, #tpu.memory_space<vmem>>) offsets(%arg5 : memref<512xi32, #tpu.memory_space<vmem>>) semaphore(%arg9 : memref<!tpu.dma_semaphore, #tpu.memory_space<semaphore_mem>>)
    %dma_wait3A_59 = arith.constant 0 : i32
    %dma_wait3A_60 = arith.constant 0 : i32
    %dma_wait3A_61 = tpu.memref_slice %arg2[%dma_wait3A_59, %dma_wait3A_60] : memref<100000x64xf32, #tpu.memory_space<hbm>> -> memref<100000x64xf32, #tpu.memory_space<hbm>>
    tpu.wait_indirect_dma semaphore(%arg10 : memref<!tpu.dma_semaphore, #tpu.memory_space<semaphore_mem>>) src(%dma_wait3A_61 : memref<100000x64xf32, #tpu.memory_space<hbm>>) dst(%arg8 : memref<512x64xf32, #tpu.memory_space<vmem>>)
    %add3A_62 = arith.constant 2560 : i32
    %add3A_63 = arith.addi %mul3A_2, %add3A_62 : i32
    "tpu.region"() ({
      %run_scoped3A = tpu.sem_alloc : memref<!tpu.dma_semaphore, #tpu.memory_space<semaphore_mem>>
      %dma_start3A_99 = arith.constant 0 : i32
      %dma_start3A_100 = tpu.memref_slice %arg4[%add3A_63, %dma_start3A_99] : memref<163840x64xf32, #tpu.memory_space<hbm>> -> memref<512x64xf32, #tpu.memory_space<hbm>>
      %dma_start3A_101 = arith.constant 0 : i32
      %dma_start3A_102 = tpu.memref_slice %arg4[%add3A_63, %dma_start3A_101] : memref<163840x64xf32, #tpu.memory_space<hbm>> -> memref<512x64xf32, #tpu.memory_space<hbm>>
      tpu.enqueue_dma source(%arg8 : memref<512x64xf32, #tpu.memory_space<vmem>>) target(%dma_start3A_102 : memref<512x64xf32, #tpu.memory_space<hbm>>) target_semaphore(%run_scoped3A : memref<!tpu.dma_semaphore, #tpu.memory_space<semaphore_mem>>)
      %dma_wait3A_103 = arith.constant 0 : i32
      %dma_wait3A_104 = tpu.memref_slice %arg4[%add3A_63, %dma_wait3A_103] : memref<163840x64xf32, #tpu.memory_space<hbm>> -> memref<512x64xf32, #tpu.memory_space<hbm>>
      %dma_wait3A_105 = arith.constant 0 : i32
      %dma_wait3A_106 = tpu.memref_slice %arg4[%add3A_63, %dma_wait3A_105] : memref<163840x64xf32, #tpu.memory_space<hbm>> -> memref<512x64xf32, #tpu.memory_space<hbm>>
      tpu.wait_dma2 semaphore(%run_scoped3A : memref<!tpu.dma_semaphore, #tpu.memory_space<semaphore_mem>>) src(%arg8 : memref<512x64xf32, #tpu.memory_space<vmem>>) dst(%dma_wait3A_106 : memref<512x64xf32, #tpu.memory_space<hbm>>)
      tpu.yield
    }) : () -> ()
    %add3A_64 = arith.constant 3584 : i32
    %add3A_65 = arith.addi %mul3A_2, %add3A_64 : i32
    "tpu.region"() ({
      %run_scoped3A = tpu.sem_alloc : memref<!tpu.dma_semaphore, #tpu.memory_space<semaphore_mem>>
      %dma_start3A_99 = tpu.memref_slice %arg3[%add3A_65] : memref<163840xi32, #tpu.memory_space<hbm>> -> memref<512xi32, #tpu.memory_space<hbm>>
      %dma_start3A_100 = tpu.memref_slice %arg3[%add3A_65] : memref<163840xi32, #tpu.memory_space<hbm>> -> memref<512xi32, #tpu.memory_space<hbm>>
      tpu.enqueue_dma source(%dma_start3A_100 : memref<512xi32, #tpu.memory_space<hbm>>) target(%arg6 : memref<512xi32, #tpu.memory_space<vmem>>) target_semaphore(%run_scoped3A : memref<!tpu.dma_semaphore, #tpu.memory_space<semaphore_mem>>)
      %dma_wait3A_101 = tpu.memref_slice %arg3[%add3A_65] : memref<163840xi32, #tpu.memory_space<hbm>> -> memref<512xi32, #tpu.memory_space<hbm>>
      %dma_wait3A_102 = tpu.memref_slice %arg3[%add3A_65] : memref<163840xi32, #tpu.memory_space<hbm>> -> memref<512xi32, #tpu.memory_space<hbm>>
      tpu.wait_dma2 semaphore(%run_scoped3A : memref<!tpu.dma_semaphore, #tpu.memory_space<semaphore_mem>>) src(%dma_wait3A_102 : memref<512xi32, #tpu.memory_space<hbm>>) dst(%arg6 : memref<512xi32, #tpu.memory_space<vmem>>)
      tpu.yield
    }) : () -> ()
    %dma_start3A_66 = arith.constant 0 : i32
    %dma_start3A_67 = arith.constant 0 : i32
    %dma_start3A_68 = tpu.memref_slice %arg2[%dma_start3A_66, %dma_start3A_67] : memref<100000x64xf32, #tpu.memory_space<hbm>> -> memref<100000x64xf32, #tpu.memory_space<hbm>>
    tpu.enqueue_indirect_dma source(%dma_start3A_68 : memref<100000x64xf32, #tpu.memory_space<hbm>>) target(%arg8 : memref<512x64xf32, #tpu.memory_space<vmem>>) offsets(%arg6 : memref<512xi32, #tpu.memory_space<vmem>>) semaphore(%arg10 : memref<!tpu.dma_semaphore, #tpu.memory_space<semaphore_mem>>)
    %dma_wait3A_69 = arith.constant 0 : i32
    %dma_wait3A_70 = arith.constant 0 : i32
    %dma_wait3A_71 = tpu.memref_slice %arg2[%dma_wait3A_69, %dma_wait3A_70] : memref<100000x64xf32, #tpu.memory_space<hbm>> -> memref<100000x64xf32, #tpu.memory_space<hbm>>
    tpu.wait_indirect_dma semaphore(%arg9 : memref<!tpu.dma_semaphore, #tpu.memory_space<semaphore_mem>>) src(%dma_wait3A_71 : memref<100000x64xf32, #tpu.memory_space<hbm>>) dst(%arg7 : memref<512x64xf32, #tpu.memory_space<vmem>>)
    %add3A_72 = arith.constant 3072 : i32
    %add3A_73 = arith.addi %mul3A_2, %add3A_72 : i32
    "tpu.region"() ({
      %run_scoped3A = tpu.sem_alloc : memref<!tpu.dma_semaphore, #tpu.memory_space<semaphore_mem>>
      %dma_start3A_99 = arith.constant 0 : i32
      %dma_start3A_100 = tpu.memref_slice %arg4[%add3A_73, %dma_start3A_99] : memref<163840x64xf32, #tpu.memory_space<hbm>> -> memref<512x64xf32, #tpu.memory_space<hbm>>
      %dma_start3A_101 = arith.constant 0 : i32
      %dma_start3A_102 = tpu.memref_slice %arg4[%add3A_73, %dma_start3A_101] : memref<163840x64xf32, #tpu.memory_space<hbm>> -> memref<512x64xf32, #tpu.memory_space<hbm>>
      tpu.enqueue_dma source(%arg7 : memref<512x64xf32, #tpu.memory_space<vmem>>) target(%dma_start3A_102 : memref<512x64xf32, #tpu.memory_space<hbm>>) target_semaphore(%run_scoped3A : memref<!tpu.dma_semaphore, #tpu.memory_space<semaphore_mem>>)
      %dma_wait3A_103 = arith.constant 0 : i32
      %dma_wait3A_104 = tpu.memref_slice %arg4[%add3A_73, %dma_wait3A_103] : memref<163840x64xf32, #tpu.memory_space<hbm>> -> memref<512x64xf32, #tpu.memory_space<hbm>>
      %dma_wait3A_105 = arith.constant 0 : i32
      %dma_wait3A_106 = tpu.memref_slice %arg4[%add3A_73, %dma_wait3A_105] : memref<163840x64xf32, #tpu.memory_space<hbm>> -> memref<512x64xf32, #tpu.memory_space<hbm>>
      tpu.wait_dma2 semaphore(%run_scoped3A : memref<!tpu.dma_semaphore, #tpu.memory_space<semaphore_mem>>) src(%arg7 : memref<512x64xf32, #tpu.memory_space<vmem>>) dst(%dma_wait3A_106 : memref<512x64xf32, #tpu.memory_space<hbm>>)
      tpu.yield
    }) : () -> ()
    %add3A_74 = arith.constant 4096 : i32
    %add3A_75 = arith.addi %mul3A_2, %add3A_74 : i32
    "tpu.region"() ({
      %run_scoped3A = tpu.sem_alloc : memref<!tpu.dma_semaphore, #tpu.memory_space<semaphore_mem>>
      %dma_start3A_99 = tpu.memref_slice %arg3[%add3A_75] : memref<163840xi32, #tpu.memory_space<hbm>> -> memref<512xi32, #tpu.memory_space<hbm>>
      %dma_start3A_100 = tpu.memref_slice %arg3[%add3A_75] : memref<163840xi32, #tpu.memory_space<hbm>> -> memref<512xi32, #tpu.memory_space<hbm>>
      tpu.enqueue_dma source(%dma_start3A_100 : memref<512xi32, #tpu.memory_space<hbm>>) target(%arg5 : memref<512xi32, #tpu.memory_space<vmem>>) target_semaphore(%run_scoped3A : memref<!tpu.dma_semaphore, #tpu.memory_space<semaphore_mem>>)
      %dma_wait3A_101 = tpu.memref_slice %arg3[%add3A_75] : memref<163840xi32, #tpu.memory_space<hbm>> -> memref<512xi32, #tpu.memory_space<hbm>>
      %dma_wait3A_102 = tpu.memref_slice %arg3[%add3A_75] : memref<163840xi32, #tpu.memory_space<hbm>> -> memref<512xi32, #tpu.memory_space<hbm>>
      tpu.wait_dma2 semaphore(%run_scoped3A : memref<!tpu.dma_semaphore, #tpu.memory_space<semaphore_mem>>) src(%dma_wait3A_102 : memref<512xi32, #tpu.memory_space<hbm>>) dst(%arg5 : memref<512xi32, #tpu.memory_space<vmem>>)
      tpu.yield
    }) : () -> ()
    %dma_start3A_76 = arith.constant 0 : i32
    %dma_start3A_77 = arith.constant 0 : i32
    %dma_start3A_78 = tpu.memref_slice %arg2[%dma_start3A_76, %dma_start3A_77] : memref<100000x64xf32, #tpu.memory_space<hbm>> -> memref<100000x64xf32, #tpu.memory_space<hbm>>
    tpu.enqueue_indirect_dma source(%dma_start3A_78 : memref<100000x64xf32, #tpu.memory_space<hbm>>) target(%arg7 : memref<512x64xf32, #tpu.memory_space<vmem>>) offsets(%arg5 : memref<512xi32, #tpu.memory_space<vmem>>) semaphore(%arg9 : memref<!tpu.dma_semaphore, #tpu.memory_space<semaphore_mem>>)
    %dma_wait3A_79 = arith.constant 0 : i32
    %dma_wait3A_80 = arith.constant 0 : i32
    %dma_wait3A_81 = tpu.memref_slice %arg2[%dma_wait3A_79, %dma_wait3A_80] : memref<100000x64xf32, #tpu.memory_space<hbm>> -> memref<100000x64xf32, #tpu.memory_space<hbm>>
    tpu.wait_indirect_dma semaphore(%arg10 : memref<!tpu.dma_semaphore, #tpu.memory_space<semaphore_mem>>) src(%dma_wait3A_81 : memref<100000x64xf32, #tpu.memory_space<hbm>>) dst(%arg8 : memref<512x64xf32, #tpu.memory_space<vmem>>)
    %add3A_82 = arith.constant 3584 : i32
    %add3A_83 = arith.addi %mul3A_2, %add3A_82 : i32
    "tpu.region"() ({
      %run_scoped3A = tpu.sem_alloc : memref<!tpu.dma_semaphore, #tpu.memory_space<semaphore_mem>>
      %dma_start3A_99 = arith.constant 0 : i32
      %dma_start3A_100 = tpu.memref_slice %arg4[%add3A_83, %dma_start3A_99] : memref<163840x64xf32, #tpu.memory_space<hbm>> -> memref<512x64xf32, #tpu.memory_space<hbm>>
      %dma_start3A_101 = arith.constant 0 : i32
      %dma_start3A_102 = tpu.memref_slice %arg4[%add3A_83, %dma_start3A_101] : memref<163840x64xf32, #tpu.memory_space<hbm>> -> memref<512x64xf32, #tpu.memory_space<hbm>>
      tpu.enqueue_dma source(%arg8 : memref<512x64xf32, #tpu.memory_space<vmem>>) target(%dma_start3A_102 : memref<512x64xf32, #tpu.memory_space<hbm>>) target_semaphore(%run_scoped3A : memref<!tpu.dma_semaphore, #tpu.memory_space<semaphore_mem>>)
      %dma_wait3A_103 = arith.constant 0 : i32
      %dma_wait3A_104 = tpu.memref_slice %arg4[%add3A_83, %dma_wait3A_103] : memref<163840x64xf32, #tpu.memory_space<hbm>> -> memref<512x64xf32, #tpu.memory_space<hbm>>
      %dma_wait3A_105 = arith.constant 0 : i32
      %dma_wait3A_106 = tpu.memref_slice %arg4[%add3A_83, %dma_wait3A_105] : memref<163840x64xf32, #tpu.memory_space<hbm>> -> memref<512x64xf32, #tpu.memory_space<hbm>>
      tpu.wait_dma2 semaphore(%run_scoped3A : memref<!tpu.dma_semaphore, #tpu.memory_space<semaphore_mem>>) src(%arg8 : memref<512x64xf32, #tpu.memory_space<vmem>>) dst(%dma_wait3A_106 : memref<512x64xf32, #tpu.memory_space<hbm>>)
      tpu.yield
    }) : () -> ()
    %add3A_84 = arith.constant 4608 : i32
    %add3A_85 = arith.addi %mul3A_2, %add3A_84 : i32
    "tpu.region"() ({
      %run_scoped3A = tpu.sem_alloc : memref<!tpu.dma_semaphore, #tpu.memory_space<semaphore_mem>>
      %dma_start3A_99 = tpu.memref_slice %arg3[%add3A_85] : memref<163840xi32, #tpu.memory_space<hbm>> -> memref<512xi32, #tpu.memory_space<hbm>>
      %dma_start3A_100 = tpu.memref_slice %arg3[%add3A_85] : memref<163840xi32, #tpu.memory_space<hbm>> -> memref<512xi32, #tpu.memory_space<hbm>>
      tpu.enqueue_dma source(%dma_start3A_100 : memref<512xi32, #tpu.memory_space<hbm>>) target(%arg6 : memref<512xi32, #tpu.memory_space<vmem>>) target_semaphore(%run_scoped3A : memref<!tpu.dma_semaphore, #tpu.memory_space<semaphore_mem>>)
      %dma_wait3A_101 = tpu.memref_slice %arg3[%add3A_85] : memref<163840xi32, #tpu.memory_space<hbm>> -> memref<512xi32, #tpu.memory_space<hbm>>
      %dma_wait3A_102 = tpu.memref_slice %arg3[%add3A_85] : memref<163840xi32, #tpu.memory_space<hbm>> -> memref<512xi32, #tpu.memory_space<hbm>>
      tpu.wait_dma2 semaphore(%run_scoped3A : memref<!tpu.dma_semaphore, #tpu.memory_space<semaphore_mem>>) src(%dma_wait3A_102 : memref<512xi32, #tpu.memory_space<hbm>>) dst(%arg6 : memref<512xi32, #tpu.memory_space<vmem>>)
      tpu.yield
    }) : () -> ()
    %dma_start3A_86 = arith.constant 0 : i32
    %dma_start3A_87 = arith.constant 0 : i32
    %dma_start3A_88 = tpu.memref_slice %arg2[%dma_start3A_86, %dma_start3A_87] : memref<100000x64xf32, #tpu.memory_space<hbm>> -> memref<100000x64xf32, #tpu.memory_space<hbm>>
    tpu.enqueue_indirect_dma source(%dma_start3A_88 : memref<100000x64xf32, #tpu.memory_space<hbm>>) target(%arg8 : memref<512x64xf32, #tpu.memory_space<vmem>>) offsets(%arg6 : memref<512xi32, #tpu.memory_space<vmem>>) semaphore(%arg10 : memref<!tpu.dma_semaphore, #tpu.memory_space<semaphore_mem>>)
    %dma_wait3A_89 = arith.constant 0 : i32
    %dma_wait3A_90 = arith.constant 0 : i32
    %dma_wait3A_91 = tpu.memref_slice %arg2[%dma_wait3A_89, %dma_wait3A_90] : memref<100000x64xf32, #tpu.memory_space<hbm>> -> memref<100000x64xf32, #tpu.memory_space<hbm>>
    tpu.wait_indirect_dma semaphore(%arg9 : memref<!tpu.dma_semaphore, #tpu.memory_space<semaphore_mem>>) src(%dma_wait3A_91 : memref<100000x64xf32, #tpu.memory_space<hbm>>) dst(%arg7 : memref<512x64xf32, #tpu.memory_space<vmem>>)
    %add3A_92 = arith.constant 4096 : i32
    %add3A_93 = arith.addi %mul3A_2, %add3A_92 : i32
    "tpu.region"() ({
      %run_scoped3A = tpu.sem_alloc : memref<!tpu.dma_semaphore, #tpu.memory_space<semaphore_mem>>
      %dma_start3A_99 = arith.constant 0 : i32
      %dma_start3A_100 = tpu.memref_slice %arg4[%add3A_93, %dma_start3A_99] : memref<163840x64xf32, #tpu.memory_space<hbm>> -> memref<512x64xf32, #tpu.memory_space<hbm>>
      %dma_start3A_101 = arith.constant 0 : i32
      %dma_start3A_102 = tpu.memref_slice %arg4[%add3A_93, %dma_start3A_101] : memref<163840x64xf32, #tpu.memory_space<hbm>> -> memref<512x64xf32, #tpu.memory_space<hbm>>
      tpu.enqueue_dma source(%arg7 : memref<512x64xf32, #tpu.memory_space<vmem>>) target(%dma_start3A_102 : memref<512x64xf32, #tpu.memory_space<hbm>>) target_semaphore(%run_scoped3A : memref<!tpu.dma_semaphore, #tpu.memory_space<semaphore_mem>>)
      %dma_wait3A_103 = arith.constant 0 : i32
      %dma_wait3A_104 = tpu.memref_slice %arg4[%add3A_93, %dma_wait3A_103] : memref<163840x64xf32, #tpu.memory_space<hbm>> -> memref<512x64xf32, #tpu.memory_space<hbm>>
      %dma_wait3A_105 = arith.constant 0 : i32
      %dma_wait3A_106 = tpu.memref_slice %arg4[%add3A_93, %dma_wait3A_105] : memref<163840x64xf32, #tpu.memory_space<hbm>> -> memref<512x64xf32, #tpu.memory_space<hbm>>
      tpu.wait_dma2 semaphore(%run_scoped3A : memref<!tpu.dma_semaphore, #tpu.memory_space<semaphore_mem>>) src(%arg7 : memref<512x64xf32, #tpu.memory_space<vmem>>) dst(%dma_wait3A_106 : memref<512x64xf32, #tpu.memory_space<hbm>>)
      tpu.yield
    }) : () -> ()
    %dma_wait3A_94 = arith.constant 0 : i32
    %dma_wait3A_95 = arith.constant 0 : i32
    %dma_wait3A_96 = tpu.memref_slice %arg2[%dma_wait3A_94, %dma_wait3A_95] : memref<100000x64xf32, #tpu.memory_space<hbm>> -> memref<100000x64xf32, #tpu.memory_space<hbm>>
    tpu.wait_indirect_dma semaphore(%arg10 : memref<!tpu.dma_semaphore, #tpu.memory_space<semaphore_mem>>) src(%dma_wait3A_96 : memref<100000x64xf32, #tpu.memory_space<hbm>>) dst(%arg8 : memref<512x64xf32, #tpu.memory_space<vmem>>)
    %add3A_97 = arith.constant 4608 : i32
    %add3A_98 = arith.addi %mul3A_2, %add3A_97 : i32
    "tpu.region"() ({
      %run_scoped3A = tpu.sem_alloc : memref<!tpu.dma_semaphore, #tpu.memory_space<semaphore_mem>>
      %dma_start3A_99 = arith.constant 0 : i32
      %dma_start3A_100 = tpu.memref_slice %arg4[%add3A_98, %dma_start3A_99] : memref<163840x64xf32, #tpu.memory_space<hbm>> -> memref<512x64xf32, #tpu.memory_space<hbm>>
      %dma_start3A_101 = arith.constant 0 : i32
      %dma_start3A_102 = tpu.memref_slice %arg4[%add3A_98, %dma_start3A_101] : memref<163840x64xf32, #tpu.memory_space<hbm>> -> memref<512x64xf32, #tpu.memory_space<hbm>>
      tpu.enqueue_dma source(%arg8 : memref<512x64xf32, #tpu.memory_space<vmem>>) target(%dma_start3A_102 : memref<512x64xf32, #tpu.memory_space<hbm>>) target_semaphore(%run_scoped3A : memref<!tpu.dma_semaphore, #tpu.memory_space<semaphore_mem>>)
      %dma_wait3A_103 = arith.constant 0 : i32
      %dma_wait3A_104 = tpu.memref_slice %arg4[%add3A_98, %dma_wait3A_103] : memref<163840x64xf32, #tpu.memory_space<hbm>> -> memref<512x64xf32, #tpu.memory_space<hbm>>
      %dma_wait3A_105 = arith.constant 0 : i32
      %dma_wait3A_106 = tpu.memref_slice %arg4[%add3A_98, %dma_wait3A_105] : memref<163840x64xf32, #tpu.memory_space<hbm>> -> memref<512x64xf32, #tpu.memory_space<hbm>>
      tpu.wait_dma2 semaphore(%run_scoped3A : memref<!tpu.dma_semaphore, #tpu.memory_space<semaphore_mem>>) src(%arg8 : memref<512x64xf32, #tpu.memory_space<vmem>>) dst(%dma_wait3A_106 : memref<512x64xf32, #tpu.memory_space<hbm>>)
      tpu.yield
    }) : () -> ()
    return
  }
}

#map = affine_map<(d0, d1) -> (0, 0)>
#map1 = affine_map<(d0, d1) -> (0)>
module attributes {stable_mosaic.version = 14 : i64} {
  func.func @_sc_gather(%arg0: i32, %arg1: i32, %arg2: memref<100000x64xf32, #tpu.memory_space<hbm>>, %arg3: memref<5120xi32, #tpu.memory_space<hbm>>, %arg4: memref<5120x64xf32, #tpu.memory_space<hbm>>, %arg5: memref<160xi32, #tpu.memory_space<vmem>>, %arg6: memref<160xi32, #tpu.memory_space<vmem>>, %arg7: memref<160x64xf32, #tpu.memory_space<vmem>>, %arg8: memref<160x64xf32, #tpu.memory_space<vmem>>, %arg9: memref<!tpu.dma_semaphore, #tpu.memory_space<semaphore_mem>>, %arg10: memref<!tpu.dma_semaphore, #tpu.memory_space<semaphore_mem>>) attributes {dimension_semantics = [#tpu.dimension_semantics<core_parallel>, #tpu.dimension_semantics<subcore_parallel>], iteration_bounds = array<i64: 2, 16>, scalar_prefetch = 0 : i64, scratch_operands = 6 : i64, tpu.core_type = #tpu.core_type<sc_vector_subcore>, window_params = [{transform_indices = #map}, {transform_indices = #map1}, {transform_indices = #map}]} {
    %mul3A = arith.constant 2 : i32
    %mul3A_0 = arith.muli %arg1, %mul3A : i32
    %add3A = arith.addi %mul3A_0, %arg0 : i32
    %mul3A_1 = arith.constant 160 : i32
    %mul3A_2 = arith.muli %add3A, %mul3A_1 : i32
    "tpu.region"() ({
      %run_scoped3A = tpu.sem_alloc : memref<!tpu.dma_semaphore, #tpu.memory_space<semaphore_mem>>
      %dma_start3A_9 = tpu.memref_slice %arg3[%mul3A_2] : memref<5120xi32, #tpu.memory_space<hbm>> -> memref<160xi32, #tpu.memory_space<hbm>>
      %dma_start3A_10 = tpu.memref_slice %arg3[%mul3A_2] : memref<5120xi32, #tpu.memory_space<hbm>> -> memref<160xi32, #tpu.memory_space<hbm>>
      tpu.enqueue_dma source(%dma_start3A_10 : memref<160xi32, #tpu.memory_space<hbm>>) target(%arg5 : memref<160xi32, #tpu.memory_space<vmem>>) target_semaphore(%run_scoped3A : memref<!tpu.dma_semaphore, #tpu.memory_space<semaphore_mem>>)
      %dma_wait3A_11 = tpu.memref_slice %arg3[%mul3A_2] : memref<5120xi32, #tpu.memory_space<hbm>> -> memref<160xi32, #tpu.memory_space<hbm>>
      %dma_wait3A_12 = tpu.memref_slice %arg3[%mul3A_2] : memref<5120xi32, #tpu.memory_space<hbm>> -> memref<160xi32, #tpu.memory_space<hbm>>
      tpu.wait_dma2 semaphore(%run_scoped3A : memref<!tpu.dma_semaphore, #tpu.memory_space<semaphore_mem>>) src(%dma_wait3A_12 : memref<160xi32, #tpu.memory_space<hbm>>) dst(%arg5 : memref<160xi32, #tpu.memory_space<vmem>>)
      tpu.yield
    }) : () -> ()
    %dma_start3A = arith.constant 0 : i32
    %dma_start3A_3 = arith.constant 0 : i32
    %dma_start3A_4 = tpu.memref_slice %arg2[%dma_start3A, %dma_start3A_3] : memref<100000x64xf32, #tpu.memory_space<hbm>> -> memref<100000x64xf32, #tpu.memory_space<hbm>>
    tpu.enqueue_indirect_dma source(%dma_start3A_4 : memref<100000x64xf32, #tpu.memory_space<hbm>>) target(%arg7 : memref<160x64xf32, #tpu.memory_space<vmem>>) offsets(%arg5 : memref<160xi32, #tpu.memory_space<vmem>>) semaphore(%arg9 : memref<!tpu.dma_semaphore, #tpu.memory_space<semaphore_mem>>)
    %dma_wait3A = arith.constant 0 : i32
    %dma_wait3A_5 = arith.constant 0 : i32
    %dma_wait3A_6 = tpu.memref_slice %arg2[%dma_wait3A, %dma_wait3A_5] : memref<100000x64xf32, #tpu.memory_space<hbm>> -> memref<100000x64xf32, #tpu.memory_space<hbm>>
    tpu.wait_indirect_dma semaphore(%arg9 : memref<!tpu.dma_semaphore, #tpu.memory_space<semaphore_mem>>) src(%dma_wait3A_6 : memref<100000x64xf32, #tpu.memory_space<hbm>>) dst(%arg7 : memref<160x64xf32, #tpu.memory_space<vmem>>)
    %add3A_7 = arith.constant 0 : i32
    %add3A_8 = arith.addi %mul3A_2, %add3A_7 : i32
    "tpu.region"() ({
      %run_scoped3A = tpu.sem_alloc : memref<!tpu.dma_semaphore, #tpu.memory_space<semaphore_mem>>
      %dma_start3A_9 = arith.constant 0 : i32
      %dma_start3A_10 = tpu.memref_slice %arg4[%add3A_8, %dma_start3A_9] : memref<5120x64xf32, #tpu.memory_space<hbm>> -> memref<160x64xf32, #tpu.memory_space<hbm>>
      %dma_start3A_11 = arith.constant 0 : i32
      %dma_start3A_12 = tpu.memref_slice %arg4[%add3A_8, %dma_start3A_11] : memref<5120x64xf32, #tpu.memory_space<hbm>> -> memref<160x64xf32, #tpu.memory_space<hbm>>
      tpu.enqueue_dma source(%arg7 : memref<160x64xf32, #tpu.memory_space<vmem>>) target(%dma_start3A_12 : memref<160x64xf32, #tpu.memory_space<hbm>>) target_semaphore(%run_scoped3A : memref<!tpu.dma_semaphore, #tpu.memory_space<semaphore_mem>>)
      %dma_wait3A_13 = arith.constant 0 : i32
      %dma_wait3A_14 = tpu.memref_slice %arg4[%add3A_8, %dma_wait3A_13] : memref<5120x64xf32, #tpu.memory_space<hbm>> -> memref<160x64xf32, #tpu.memory_space<hbm>>
      %dma_wait3A_15 = arith.constant 0 : i32
      %dma_wait3A_16 = tpu.memref_slice %arg4[%add3A_8, %dma_wait3A_15] : memref<5120x64xf32, #tpu.memory_space<hbm>> -> memref<160x64xf32, #tpu.memory_space<hbm>>
      tpu.wait_dma2 semaphore(%run_scoped3A : memref<!tpu.dma_semaphore, #tpu.memory_space<semaphore_mem>>) src(%arg7 : memref<160x64xf32, #tpu.memory_space<vmem>>) dst(%dma_wait3A_16 : memref<160x64xf32, #tpu.memory_space<hbm>>)
      tpu.yield
    }) : () -> ()
    return
  }
}

module attributes {stable_mosaic.version = 14 : i64} {
  func.func @_gmax_body(%arg0: i32, %arg1: memref<64x1024xf32, #tpu.memory_space<vmem>>, %arg2: memref<4096x64xf32, #tpu.memory_space<vmem>>, %arg3: memref<128x1024xf32, #tpu.memory_space<vmem>>) attributes {dimension_semantics = [#tpu.dimension_semantics<arbitrary>], iteration_bounds = array<i64: 25>, scalar_prefetch = 0 : i64, scratch_operands = 0 : i64, tpu.core_type = #tpu.core_type<tc>, window_params = [{pipeline_mode = #tpu.pipeline_mode<synchronous>, transform_indices = @transform_0, window_bounds = array<i64: 64, 1024>}, {transform_indices = @transform_1, window_bounds = array<i64: 4096, 64>}, {transform_indices = @transform_2, window_bounds = array<i64: 128, 1024>}]} {
    %get3A = arith.constant 0 : index
    %get3A_0 = arith.constant 0 : index
    %get3A_1 = vector.load %arg1[%get3A, %get3A_0] : memref<64x1024xf32, #tpu.memory_space<vmem>>, vector<64x1024xf32>
    %get3A_2 = arith.constant 0 : index
    %get3A_3 = arith.constant 0 : index
    %get3A_4 = vector.load %arg2[%get3A_2, %get3A_3] : memref<4096x64xf32, #tpu.memory_space<vmem>>, vector<4096x64xf32>
    %dot_general3A = arith.constant dense<0.000000e+00> : vector<4096x1024xf32>
    %dot_general3A_5 = tpu.matmul %get3A_4, %get3A_1, %dot_general3A {dimension_numbers = #tpu.dot_dimension_numbers<[1], [0], [0], [1], [0, 0, 1, 1], [], []>, transpose_lhs_hint = false} : vector<4096x64xf32>, vector<64x1024xf32>, vector<4096x1024xf32> -> vector<4096x1024xf32>
    %lt3A = arith.constant 24 : i32
    %lt3A_6 = arith.cmpi slt, %arg0, %lt3A : i32
    %convert_element_type3A = arith.extui %lt3A_6 : i1 to i32
    %cond3A = arith.constant 0 : i32
    %cond3A_7 = arith.cmpi ne, %convert_element_type3A, %cond3A : i32
    scf.if %cond3A_7 {
      %reshape3A = vector.shape_cast %dot_general3A_5 : vector<4096x1024xf32> to vector<128x32x1024xf32>
      %reduce_max3A = arith.constant dense<0xFF800000> : vector<128x1024xf32>
      %reduce_max3A_12 = vector.multi_reduction <maximumf>, %reshape3A, %reduce_max3A [1] : vector<128x32x1024xf32> to vector<128x1024xf32>
      %swap3A = arith.constant 0 : index
      %swap3A_13 = arith.constant 0 : index
      %swap3A_14 = vector.load %arg3[%swap3A, %swap3A_13] : memref<128x1024xf32, #tpu.memory_space<vmem>>, vector<128x1024xf32>
      tpu.vector_store %arg3[%swap3A, %swap3A_13], %reduce_max3A_12 {strides = array<i32>} : memref<128x1024xf32, #tpu.memory_space<vmem>>, vector<128x1024xf32>,
    } else {
    }
    %eq3A = arith.constant 24 : i32
    %eq3A_8 = arith.cmpi eq, %arg0, %eq3A : i32
    %convert_element_type3A_9 = arith.extui %eq3A_8 : i1 to i32
    %cond3A_10 = arith.constant 0 : i32
    %cond3A_11 = arith.cmpi ne, %convert_element_type3A_9, %cond3A_10 : i32
    scf.if %cond3A_11 {
      %iota3A = tpu.iota {dimensions = array<i32: 0>} : vector<4096x1024xi32>
      %mul3A = arith.constant 4096 : i32
      %mul3A_12 = arith.muli %arg0, %mul3A : i32
      %add3A = vector.broadcast %mul3A_12 : i32 to vector<4096x1024xi32>
      %add3A_13 = arith.addi %iota3A, %add3A : vector<4096x1024xi32>
      %lt3A_14 = arith.constant 100000 : i32
      %lt3A_15 = vector.broadcast %lt3A_14 : i32 to vector<4096x1024xi32>
      %lt3A_16 = arith.cmpi slt, %add3A_13, %lt3A_15 : vector<4096x1024xi32>
      %jit3A = arith.constant 0xFF800000 : f32
      %broadcast_in_dim3A = vector.broadcast %jit3A : f32 to vector<4096x1024xf32>
      %select_n3A = arith.select %lt3A_16, %dot_general3A_5, %broadcast_in_dim3A : vector<4096x1024xi1>, vector<4096x1024xf32>
      %reshape3A = vector.shape_cast %select_n3A : vector<4096x1024xf32> to vector<128x32x1024xf32>
      %reduce_max3A = arith.constant dense<0xFF800000> : vector<128x1024xf32>
      %reduce_max3A_17 = vector.multi_reduction <maximumf>, %reshape3A, %reduce_max3A [1] : vector<128x32x1024xf32> to vector<128x1024xf32>
      %swap3A = arith.constant 0 : index
      %swap3A_18 = arith.constant 0 : index
      %swap3A_19 = vector.load %arg3[%swap3A, %swap3A_18] : memref<128x1024xf32, #tpu.memory_space<vmem>>, vector<128x1024xf32>
      tpu.vector_store %arg3[%swap3A, %swap3A_18], %reduce_max3A_17 {strides = array<i32>} : memref<128x1024xf32, #tpu.memory_space<vmem>>, vector<128x1024xf32>,
    } else {
    }
    return
  }
  func.func @transform_0(%arg0: i32) -> (i32, i32) {
    %c0_i32 = arith.constant 0 : i32
    %c0_i32_0 = arith.constant 0 : i32
    %c0_i32_1 = arith.constant 0 : i32
    return %c0_i32, %c0_i32_0 : i32, i32
  }
  func.func @transform_1(%arg0: i32) -> (i32, i32) {
    %c0_i32 = arith.constant 0 : i32
    %c0_i32_0 = arith.constant 0 : i32
    return %arg0, %c0_i32 : i32, i32
  }
  func.func @transform_2(%arg0: i32) -> (i32, i32) {
    %c0_i32 = arith.constant 0 : i32
    %c0_i32_0 = arith.constant 0 : i32
    return %arg0, %c0_i32 : i32, i32
  }
}

module attributes {stable_mosaic.version = 14 : i64} {
  func.func @_gsel_body(%arg0: memref<3200x1024xf32, #tpu.memory_space<vmem>>, %arg1: memref<160x1024xi32, #tpu.memory_space<vmem>>) attributes {dimension_semantics = [], scalar_prefetch = 0 : i64, scratch_operands = 0 : i64, tpu.core_type = #tpu.core_type<tc>} {
    %get3A = arith.constant 0 : index
    %get3A_0 = arith.constant 0 : index
    %get3A_1 = vector.load %arg0[%get3A, %get3A_0] : memref<3200x1024xf32, #tpu.memory_space<vmem>>, vector<3200x1024xf32>
    %iota3A = tpu.iota {dimensions = array<i32: 0>} : vector<3200x1024xi32>
    %convert_element_type3A = arith.sitofp %iota3A : vector<3200x1024xi32> to vector<3200x1024xf32>
    %reduce_max3A = arith.constant dense<0xFF800000> : vector<1024xf32>
    %reduce_max3A_2 = vector.multi_reduction <maximumf>, %get3A_1, %reduce_max3A [0] : vector<3200x1024xf32> to vector<1024xf32>
    %broadcast_in_dim3A = vector.shape_cast %reduce_max3A_2 : vector<1024xf32> to vector<1x1024xf32>
    %eq3A = vector.broadcast %broadcast_in_dim3A : vector<1x1024xf32> to vector<3200x1024xf32>
    %eq3A_3 = arith.cmpf oeq, %get3A_1, %eq3A : vector<3200x1024xf32>
    %jit3A = arith.constant 1.000000e+30 : f32
    %broadcast_in_dim3A_4 = vector.broadcast %jit3A : f32 to vector<3200x1024xf32>
    %select_n3A = arith.select %eq3A_3, %convert_element_type3A, %broadcast_in_dim3A_4 : vector<3200x1024xi1>, vector<3200x1024xf32>
    %reduce_min3A = arith.constant dense<0x7F800000> : vector<1024xf32>
    %reduce_min3A_5 = vector.multi_reduction <minimumf>, %select_n3A, %reduce_min3A [0] : vector<3200x1024xf32> to vector<1024xf32>
    %broadcast_in_dim3A_6 = vector.shape_cast %reduce_min3A_5 : vector<1024xf32> to vector<1x1024xf32>
    %eq3A_7 = vector.broadcast %broadcast_in_dim3A_6 : vector<1x1024xf32> to vector<3200x1024xf32>
    %eq3A_8 = arith.cmpf oeq, %convert_element_type3A, %eq3A_7 : vector<3200x1024xf32>
    %jit3A_9 = arith.constant 0xFF800000 : f32
    %broadcast_in_dim3A_10 = vector.broadcast %jit3A_9 : f32 to vector<3200x1024xf32>
    %select_n3A_11 = arith.select %eq3A_8, %broadcast_in_dim3A_10, %get3A_1 : vector<3200x1024xi1>, vector<3200x1024xf32>
    %reduce_max3A_12 = arith.constant dense<0xFF800000> : vector<1024xf32>
    %reduce_max3A_13 = vector.multi_reduction <maximumf>, %select_n3A_11, %reduce_max3A_12 [0] : vector<3200x1024xf32> to vector<1024xf32>
    %broadcast_in_dim3A_14 = vector.shape_cast %reduce_max3A_13 : vector<1024xf32> to vector<1x1024xf32>
    %eq3A_15 = vector.broadcast %broadcast_in_dim3A_14 : vector<1x1024xf32> to vector<3200x1024xf32>
    %eq3A_16 = arith.cmpf oeq, %select_n3A_11, %eq3A_15 : vector<3200x1024xf32>
    %jit3A_17 = arith.constant 1.000000e+30 : f32
    %broadcast_in_dim3A_18 = vector.broadcast %jit3A_17 : f32 to vector<3200x1024xf32>
    %select_n3A_19 = arith.select %eq3A_16, %convert_element_type3A, %broadcast_in_dim3A_18 : vector<3200x1024xi1>, vector<3200x1024xf32>
    %reduce_min3A_20 = arith.constant dense<0x7F800000> : vector<1024xf32>
    %reduce_min3A_21 = vector.multi_reduction <minimumf>, %select_n3A_19, %reduce_min3A_20 [0] : vector<3200x1024xf32> to vector<1024xf32>
    %broadcast_in_dim3A_22 = vector.shape_cast %reduce_min3A_21 : vector<1024xf32> to vector<1x1024xf32>
    %eq3A_23 = vector.broadcast %broadcast_in_dim3A_22 : vector<1x1024xf32> to vector<3200x1024xf32>
    %eq3A_24 = arith.cmpf oeq, %convert_element_type3A, %eq3A_23 : vector<3200x1024xf32>
    %jit3A_25 = arith.constant 0xFF800000 : f32
    %broadcast_in_dim3A_26 = vector.broadcast %jit3A_25 : f32 to vector<3200x1024xf32>
    %select_n3A_27 = arith.select %eq3A_24, %broadcast_in_dim3A_26, %select_n3A_11 : vector<3200x1024xi1>, vector<3200x1024xf32>
    %reduce_max3A_28 = arith.constant dense<0xFF800000> : vector<1024xf32>
    %reduce_max3A_29 = vector.multi_reduction <maximumf>, %select_n3A_27, %reduce_max3A_28 [0] : vector<3200x1024xf32> to vector<1024xf32>
    %broadcast_in_dim3A_30 = vector.shape_cast %reduce_max3A_29 : vector<1024xf32> to vector<1x1024xf32>
    %eq3A_31 = vector.broadcast %broadcast_in_dim3A_30 : vector<1x1024xf32> to vector<3200x1024xf32>
    %eq3A_32 = arith.cmpf oeq, %select_n3A_27, %eq3A_31 : vector<3200x1024xf32>
    %jit3A_33 = arith.constant 1.000000e+30 : f32
    %broadcast_in_dim3A_34 = vector.broadcast %jit3A_33 : f32 to vector<3200x1024xf32>
    %select_n3A_35 = arith.select %eq3A_32, %convert_element_type3A, %broadcast_in_dim3A_34 : vector<3200x1024xi1>, vector<3200x1024xf32>
    %reduce_min3A_36 = arith.constant dense<0x7F800000> : vector<1024xf32>
    %reduce_min3A_37 = vector.multi_reduction <minimumf>, %select_n3A_35, %reduce_min3A_36 [0] : vector<3200x1024xf32> to vector<1024xf32>
    %broadcast_in_dim3A_38 = vector.shape_cast %reduce_min3A_37 : vector<1024xf32> to vector<1x1024xf32>
    %eq3A_39 = vector.broadcast %broadcast_in_dim3A_38 : vector<1x1024xf32> to vector<3200x1024xf32>
    %eq3A_40 = arith.cmpf oeq, %convert_element_type3A, %eq3A_39 : vector<3200x1024xf32>
    %jit3A_41 = arith.constant 0xFF800000 : f32
    %broadcast_in_dim3A_42 = vector.broadcast %jit3A_41 : f32 to vector<3200x1024xf32>
    %select_n3A_43 = arith.select %eq3A_40, %broadcast_in_dim3A_42, %select_n3A_27 : vector<3200x1024xi1>, vector<3200x1024xf32>
    %reduce_max3A_44 = arith.constant dense<0xFF800000> : vector<1024xf32>
    %reduce_max3A_45 = vector.multi_reduction <maximumf>, %select_n3A_43, %reduce_max3A_44 [0] : vector<3200x1024xf32> to vector<1024xf32>
    %broadcast_in_dim3A_46 = vector.shape_cast %reduce_max3A_45 : vector<1024xf32> to vector<1x1024xf32>
    %eq3A_47 = vector.broadcast %broadcast_in_dim3A_46 : vector<1x1024xf32> to vector<3200x1024xf32>
    %eq3A_48 = arith.cmpf oeq, %select_n3A_43, %eq3A_47 : vector<3200x1024xf32>
    %jit3A_49 = arith.constant 1.000000e+30 : f32
    %broadcast_in_dim3A_50 = vector.broadcast %jit3A_49 : f32 to vector<3200x1024xf32>
    %select_n3A_51 = arith.select %eq3A_48, %convert_element_type3A, %broadcast_in_dim3A_50 : vector<3200x1024xi1>, vector<3200x1024xf32>
    %reduce_min3A_52 = arith.constant dense<0x7F800000> : vector<1024xf32>
    %reduce_min3A_53 = vector.multi_reduction <minimumf>, %select_n3A_51, %reduce_min3A_52 [0] : vector<3200x1024xf32> to vector<1024xf32>
    %broadcast_in_dim3A_54 = vector.shape_cast %reduce_min3A_53 : vector<1024xf32> to vector<1x1024xf32>
    %eq3A_55 = vector.broadcast %broadcast_in_dim3A_54 : vector<1x1024xf32> to vector<3200x1024xf32>
    %eq3A_56 = arith.cmpf oeq, %convert_element_type3A, %eq3A_55 : vector<3200x1024xf32>
    %jit3A_57 = arith.constant 0xFF800000 : f32
    %broadcast_in_dim3A_58 = vector.broadcast %jit3A_57 : f32 to vector<3200x1024xf32>
    %select_n3A_59 = arith.select %eq3A_56, %broadcast_in_dim3A_58, %select_n3A_43 : vector<3200x1024xi1>, vector<3200x1024xf32>
    %reduce_max3A_60 = arith.constant dense<0xFF800000> : vector<1024xf32>
    %reduce_max3A_61 = vector.multi_reduction <maximumf>, %select_n3A_59, %reduce_max3A_60 [0] : vector<3200x1024xf32> to vector<1024xf32>
    %broadcast_in_dim3A_62 = vector.shape_cast %reduce_max3A_61 : vector<1024xf32> to vector<1x1024xf32>
    %eq3A_63 = vector.broadcast %broadcast_in_dim3A_62 : vector<1x1024xf32> to vector<3200x1024xf32>
    %eq3A_64 = arith.cmpf oeq, %select_n3A_59, %eq3A_63 : vector<3200x1024xf32>
    %jit3A_65 = arith.constant 1.000000e+30 : f32
    %broadcast_in_dim3A_66 = vector.broadcast %jit3A_65 : f32 to vector<3200x1024xf32>
    %select_n3A_67 = arith.select %eq3A_64, %convert_element_type3A, %broadcast_in_dim3A_66 : vector<3200x1024xi1>, vector<3200x1024xf32>
    %reduce_min3A_68 = arith.constant dense<0x7F800000> : vector<1024xf32>
    %reduce_min3A_69 = vector.multi_reduction <minimumf>, %select_n3A_67, %reduce_min3A_68 [0] : vector<3200x1024xf32> to vector<1024xf32>
    %broadcast_in_dim3A_70 = vector.shape_cast %reduce_min3A_69 : vector<1024xf32> to vector<1x1024xf32>
    %concatenate3A = tpu.concatenate %broadcast_in_dim3A_6, %broadcast_in_dim3A_22, %broadcast_in_dim3A_38, %broadcast_in_dim3A_54, %broadcast_in_dim3A_70 in 0 : vector<1x1024xf32>, vector<1x1024xf32>, vector<1x1024xf32>, vector<1x1024xf32>, vector<1x1024xf32> -> vector<5x1024xf32>
    %reshape3A = vector.shape_cast %concatenate3A : vector<5x1024xf32> to vector<5x1x1024xf32>
    %broadcast_in_dim3A_71 = vector.shape_cast %reshape3A : vector<5x1x1024xf32> to vector<5x1x1024xf32>
    %broadcast_in_dim3A_72 = vector.broadcast %broadcast_in_dim3A_71 : vector<5x1x1024xf32> to vector<5x32x1024xf32>
    %iota3A_73 = tpu.iota {dimensions = array<i32: 1>} : vector<5x32x1024xi32>
    %convert_element_type3A_74 = arith.sitofp %iota3A_73 : vector<5x32x1024xi32> to vector<5x32x1024xf32>
    %mul3A = arith.constant 3.200000e+01 : f32
    %mul3A_75 = vector.broadcast %mul3A : f32 to vector<5x32x1024xf32>
    %mul3A_76 = arith.mulf %broadcast_in_dim3A_72, %mul3A_75 : vector<5x32x1024xf32>
    %add3A = arith.addf %mul3A_76, %convert_element_type3A_74 : vector<5x32x1024xf32>
    %reshape3A_77 = vector.shape_cast %add3A : vector<5x32x1024xf32> to vector<160x1024xf32>
    %convert_element_type3A_78 = arith.fptosi %reshape3A_77 : vector<160x1024xf32> to vector<160x1024xi32>
    %swap3A = arith.constant 0 : index
    %swap3A_79 = arith.constant 0 : index
    %swap3A_80 = vector.load %arg1[%swap3A, %swap3A_79] : memref<160x1024xi32, #tpu.memory_space<vmem>>, vector<160x1024xi32>
    tpu.vector_store %arg1[%swap3A, %swap3A_79], %convert_element_type3A_78 {strides = array<i32>} : memref<160x1024xi32, #tpu.memory_space<vmem>>, vector<160x1024xi32>,
    return
  }
}

module attributes {stable_mosaic.version = 14 : i64} {
  func.func @_rescore_body(%arg0: i32, %arg1: memref<20480x64xf32, #tpu.memory_space<vmem>>, %arg2: memref<64x128xf32, #tpu.memory_space<vmem>>, %arg3: memref<160x128xi32, #tpu.memory_space<vmem>>, %arg4: memref<8x128xi32, #tpu.memory_space<vmem>>) attributes {dimension_semantics = [#tpu.dimension_semantics<arbitrary>], iteration_bounds = array<i64: 8>, scalar_prefetch = 0 : i64, scratch_operands = 0 : i64, tpu.core_type = #tpu.core_type<tc>, window_params = [{transform_indices = @transform_0, window_bounds = array<i64: 20480, 64>}, {transform_indices = @transform_1, window_bounds = array<i64: 64, 128>}, {transform_indices = @transform_2, window_bounds = array<i64: 160, 128>}, {transform_indices = @transform_3, window_bounds = array<i64: 8, 128>}]} {
    %get3A = arith.constant 0 : index
    %get3A_0 = arith.constant 0 : index
    %get3A_1 = vector.load %arg1[%get3A, %get3A_0] : memref<20480x64xf32, #tpu.memory_space<vmem>>, vector<20480x64xf32>
    %get3A_2 = arith.constant 0 : index
    %get3A_3 = arith.constant 0 : index
    %get3A_4 = vector.load %arg2[%get3A_2, %get3A_3] : memref<64x128xf32, #tpu.memory_space<vmem>>, vector<64x128xf32>
    %dot_general3A = arith.constant dense<0.000000e+00> : vector<20480x128xf32>
    %dot_general3A_5 = tpu.matmul %get3A_1, %get3A_4, %dot_general3A {dimension_numbers = #tpu.dot_dimension_numbers<[1], [0], [0], [1], [0, 0, 1, 1], [], []>, transpose_lhs_hint = false} : vector<20480x64xf32>, vector<64x128xf32>, vector<20480x128xf32> -> vector<20480x128xf32>
    %iota3A = tpu.iota {dimensions = array<i32: 1>} : vector<160x128xi32>
    %broadcast_in_dim3A = arith.constant 0xFF800000 : f32
    %broadcast_in_dim3A_6 = vector.broadcast %broadcast_in_dim3A : f32 to vector<160x128xf32>
    %eq3A = arith.constant 0 : i32
    %eq3A_7 = vector.broadcast %eq3A : i32 to vector<160x128xi32>
    %eq3A_8 = arith.cmpi eq, %iota3A, %eq3A_7 : vector<160x128xi32>
    %slice3A = vector.extract_strided_slice %dot_general3A_5 {offsets = [0, 0], sizes = [160, 128], strides = [1, 1]} : vector<20480x128xf32> to vector<160x128xf32>
    %select_n3A = arith.select %eq3A_8, %slice3A, %broadcast_in_dim3A_6 : vector<160x128xi1>, vector<160x128xf32>
    %eq3A_9 = arith.constant 1 : i32
    %eq3A_10 = vector.broadcast %eq3A_9 : i32 to vector<160x128xi32>
    %eq3A_11 = arith.cmpi eq, %iota3A, %eq3A_10 : vector<160x128xi32>
    %slice3A_12 = vector.extract_strided_slice %dot_general3A_5 {offsets = [160, 0], sizes = [160, 128], strides = [1, 1]} : vector<20480x128xf32> to vector<160x128xf32>
    %select_n3A_13 = arith.select %eq3A_11, %slice3A_12, %select_n3A : vector<160x128xi1>, vector<160x128xf32>
    %eq3A_14 = arith.constant 2 : i32
    %eq3A_15 = vector.broadcast %eq3A_14 : i32 to vector<160x128xi32>
    %eq3A_16 = arith.cmpi eq, %iota3A, %eq3A_15 : vector<160x128xi32>
    %slice3A_17 = vector.extract_strided_slice %dot_general3A_5 {offsets = [320, 0], sizes = [160, 128], strides = [1, 1]} : vector<20480x128xf32> to vector<160x128xf32>
    %select_n3A_18 = arith.select %eq3A_16, %slice3A_17, %select_n3A_13 : vector<160x128xi1>, vector<160x128xf32>
    %eq3A_19 = arith.constant 3 : i32
    %eq3A_20 = vector.broadcast %eq3A_19 : i32 to vector<160x128xi32>
    %eq3A_21 = arith.cmpi eq, %iota3A, %eq3A_20 : vector<160x128xi32>
    %slice3A_22 = vector.extract_strided_slice %dot_general3A_5 {offsets = [480, 0], sizes = [160, 128], strides = [1, 1]} : vector<20480x128xf32> to vector<160x128xf32>
    %select_n3A_23 = arith.select %eq3A_21, %slice3A_22, %select_n3A_18 : vector<160x128xi1>, vector<160x128xf32>
    %eq3A_24 = arith.constant 4 : i32
    %eq3A_25 = vector.broadcast %eq3A_24 : i32 to vector<160x128xi32>
    %eq3A_26 = arith.cmpi eq, %iota3A, %eq3A_25 : vector<160x128xi32>
    %slice3A_27 = vector.extract_strided_slice %dot_general3A_5 {offsets = [640, 0], sizes = [160, 128], strides = [1, 1]} : vector<20480x128xf32> to vector<160x128xf32>
    %select_n3A_28 = arith.select %eq3A_26, %slice3A_27, %select_n3A_23 : vector<160x128xi1>, vector<160x128xf32>
    %eq3A_29 = arith.constant 5 : i32
    %eq3A_30 = vector.broadcast %eq3A_29 : i32 to vector<160x128xi32>
    %eq3A_31 = arith.cmpi eq, %iota3A, %eq3A_30 : vector<160x128xi32>
    %slice3A_32 = vector.extract_strided_slice %dot_general3A_5 {offsets = [800, 0], sizes = [160, 128], strides = [1, 1]} : vector<20480x128xf32> to vector<160x128xf32>
    %select_n3A_33 = arith.select %eq3A_31, %slice3A_32, %select_n3A_28 : vector<160x128xi1>, vector<160x128xf32>
    %eq3A_34 = arith.constant 6 : i32
    %eq3A_35 = vector.broadcast %eq3A_34 : i32 to vector<160x128xi32>
    %eq3A_36 = arith.cmpi eq, %iota3A, %eq3A_35 : vector<160x128xi32>
    %slice3A_37 = vector.extract_strided_slice %dot_general3A_5 {offsets = [960, 0], sizes = [160, 128], strides = [1, 1]} : vector<20480x128xf32> to vector<160x128xf32>
    %select_n3A_38 = arith.select %eq3A_36, %slice3A_37, %select_n3A_33 : vector<160x128xi1>, vector<160x128xf32>
    %eq3A_39 = arith.constant 7 : i32
    %eq3A_40 = vector.broadcast %eq3A_39 : i32 to vector<160x128xi32>
    %eq3A_41 = arith.cmpi eq, %iota3A, %eq3A_40 : vector<160x128xi32>
    %slice3A_42 = vector.extract_strided_slice %dot_general3A_5 {offsets = [1120, 0], sizes = [160, 128], strides = [1, 1]} : vector<20480x128xf32> to vector<160x128xf32>
    %select_n3A_43 = arith.select %eq3A_41, %slice3A_42, %select_n3A_38 : vector<160x128xi1>, vector<160x128xf32>
    %eq3A_44 = arith.constant 8 : i32
    %eq3A_45 = vector.broadcast %eq3A_44 : i32 to vector<160x128xi32>
    %eq3A_46 = arith.cmpi eq, %iota3A, %eq3A_45 : vector<160x128xi32>
    %slice3A_47 = vector.extract_strided_slice %dot_general3A_5 {offsets = [1280, 0], sizes = [160, 128], strides = [1, 1]} : vector<20480x128xf32> to vector<160x128xf32>
    %select_n3A_48 = arith.select %eq3A_46, %slice3A_47, %select_n3A_43 : vector<160x128xi1>, vector<160x128xf32>
    %eq3A_49 = arith.constant 9 : i32
    %eq3A_50 = vector.broadcast %eq3A_49 : i32 to vector<160x128xi32>
    %eq3A_51 = arith.cmpi eq, %iota3A, %eq3A_50 : vector<160x128xi32>
    %slice3A_52 = vector.extract_strided_slice %dot_general3A_5 {offsets = [1440, 0], sizes = [160, 128], strides = [1, 1]} : vector<20480x128xf32> to vector<160x128xf32>
    %select_n3A_53 = arith.select %eq3A_51, %slice3A_52, %select_n3A_48 : vector<160x128xi1>, vector<160x128xf32>
    %eq3A_54 = arith.constant 10 : i32
    %eq3A_55 = vector.broadcast %eq3A_54 : i32 to vector<160x128xi32>
    %eq3A_56 = arith.cmpi eq, %iota3A, %eq3A_55 : vector<160x128xi32>
    %slice3A_57 = vector.extract_strided_slice %dot_general3A_5 {offsets = [1600, 0], sizes = [160, 128], strides = [1, 1]} : vector<20480x128xf32> to vector<160x128xf32>
    %select_n3A_58 = arith.select %eq3A_56, %slice3A_57, %select_n3A_53 : vector<160x128xi1>, vector<160x128xf32>
    %eq3A_59 = arith.constant 11 : i32
    %eq3A_60 = vector.broadcast %eq3A_59 : i32 to vector<160x128xi32>
    %eq3A_61 = arith.cmpi eq, %iota3A, %eq3A_60 : vector<160x128xi32>
    %slice3A_62 = vector.extract_strided_slice %dot_general3A_5 {offsets = [1760, 0], sizes = [160, 128], strides = [1, 1]} : vector<20480x128xf32> to vector<160x128xf32>
    %select_n3A_63 = arith.select %eq3A_61, %slice3A_62, %select_n3A_58 : vector<160x128xi1>, vector<160x128xf32>
    %eq3A_64 = arith.constant 12 : i32
    %eq3A_65 = vector.broadcast %eq3A_64 : i32 to vector<160x128xi32>
    %eq3A_66 = arith.cmpi eq, %iota3A, %eq3A_65 : vector<160x128xi32>
    %slice3A_67 = vector.extract_strided_slice %dot_general3A_5 {offsets = [1920, 0], sizes = [160, 128], strides = [1, 1]} : vector<20480x128xf32> to vector<160x128xf32>
    %select_n3A_68 = arith.select %eq3A_66, %slice3A_67, %select_n3A_63 : vector<160x128xi1>, vector<160x128xf32>
    %eq3A_69 = arith.constant 13 : i32
    %eq3A_70 = vector.broadcast %eq3A_69 : i32 to vector<160x128xi32>
    %eq3A_71 = arith.cmpi eq, %iota3A, %eq3A_70 : vector<160x128xi32>
    %slice3A_72 = vector.extract_strided_slice %dot_general3A_5 {offsets = [2080, 0], sizes = [160, 128], strides = [1, 1]} : vector<20480x128xf32> to vector<160x128xf32>
    %select_n3A_73 = arith.select %eq3A_71, %slice3A_72, %select_n3A_68 : vector<160x128xi1>, vector<160x128xf32>
    %eq3A_74 = arith.constant 14 : i32
    %eq3A_75 = vector.broadcast %eq3A_74 : i32 to vector<160x128xi32>
    %eq3A_76 = arith.cmpi eq, %iota3A, %eq3A_75 : vector<160x128xi32>
    %slice3A_77 = vector.extract_strided_slice %dot_general3A_5 {offsets = [2240, 0], sizes = [160, 128], strides = [1, 1]} : vector<20480x128xf32> to vector<160x128xf32>
    %select_n3A_78 = arith.select %eq3A_76, %slice3A_77, %select_n3A_73 : vector<160x128xi1>, vector<160x128xf32>
    %eq3A_79 = arith.constant 15 : i32
    %eq3A_80 = vector.broadcast %eq3A_79 : i32 to vector<160x128xi32>
    %eq3A_81 = arith.cmpi eq, %iota3A, %eq3A_80 : vector<160x128xi32>
    %slice3A_82 = vector.extract_strided_slice %dot_general3A_5 {offsets = [2400, 0], sizes = [160, 128], strides = [1, 1]} : vector<20480x128xf32> to vector<160x128xf32>
    %select_n3A_83 = arith.select %eq3A_81, %slice3A_82, %select_n3A_78 : vector<160x128xi1>, vector<160x128xf32>
    %eq3A_84 = arith.constant 16 : i32
    %eq3A_85 = vector.broadcast %eq3A_84 : i32 to vector<160x128xi32>
    %eq3A_86 = arith.cmpi eq, %iota3A, %eq3A_85 : vector<160x128xi32>
    %slice3A_87 = vector.extract_strided_slice %dot_general3A_5 {offsets = [2560, 0], sizes = [160, 128], strides = [1, 1]} : vector<20480x128xf32> to vector<160x128xf32>
    %select_n3A_88 = arith.select %eq3A_86, %slice3A_87, %select_n3A_83 : vector<160x128xi1>, vector<160x128xf32>
    %eq3A_89 = arith.constant 17 : i32
    %eq3A_90 = vector.broadcast %eq3A_89 : i32 to vector<160x128xi32>
    %eq3A_91 = arith.cmpi eq, %iota3A, %eq3A_90 : vector<160x128xi32>
    %slice3A_92 = vector.extract_strided_slice %dot_general3A_5 {offsets = [2720, 0], sizes = [160, 128], strides = [1, 1]} : vector<20480x128xf32> to vector<160x128xf32>
    %select_n3A_93 = arith.select %eq3A_91, %slice3A_92, %select_n3A_88 : vector<160x128xi1>, vector<160x128xf32>
    %eq3A_94 = arith.constant 18 : i32
    %eq3A_95 = vector.broadcast %eq3A_94 : i32 to vector<160x128xi32>
    %eq3A_96 = arith.cmpi eq, %iota3A, %eq3A_95 : vector<160x128xi32>
    %slice3A_97 = vector.extract_strided_slice %dot_general3A_5 {offsets = [2880, 0], sizes = [160, 128], strides = [1, 1]} : vector<20480x128xf32> to vector<160x128xf32>
    %select_n3A_98 = arith.select %eq3A_96, %slice3A_97, %select_n3A_93 : vector<160x128xi1>, vector<160x128xf32>
    %eq3A_99 = arith.constant 19 : i32
    %eq3A_100 = vector.broadcast %eq3A_99 : i32 to vector<160x128xi32>
    %eq3A_101 = arith.cmpi eq, %iota3A, %eq3A_100 : vector<160x128xi32>
    %slice3A_102 = vector.extract_strided_slice %dot_general3A_5 {offsets = [3040, 0], sizes = [160, 128], strides = [1, 1]} : vector<20480x128xf32> to vector<160x128xf32>
    %select_n3A_103 = arith.select %eq3A_101, %slice3A_102, %select_n3A_98 : vector<160x128xi1>, vector<160x128xf32>
    %eq3A_104 = arith.constant 20 : i32
    %eq3A_105 = vector.broadcast %eq3A_104 : i32 to vector<160x128xi32>
    %eq3A_106 = arith.cmpi eq, %iota3A, %eq3A_105 : vector<160x128xi32>
    %slice3A_107 = vector.extract_strided_slice %dot_general3A_5 {offsets = [3200, 0], sizes = [160, 128], strides = [1, 1]} : vector<20480x128xf32> to vector<160x128xf32>
    %select_n3A_108 = arith.select %eq3A_106, %slice3A_107, %select_n3A_103 : vector<160x128xi1>, vector<160x128xf32>
    %eq3A_109 = arith.constant 21 : i32
    %eq3A_110 = vector.broadcast %eq3A_109 : i32 to vector<160x128xi32>
    %eq3A_111 = arith.cmpi eq, %iota3A, %eq3A_110 : vector<160x128xi32>
    %slice3A_112 = vector.extract_strided_slice %dot_general3A_5 {offsets = [3360, 0], sizes = [160, 128], strides = [1, 1]} : vector<20480x128xf32> to vector<160x128xf32>
    %select_n3A_113 = arith.select %eq3A_111, %slice3A_112, %select_n3A_108 : vector<160x128xi1>, vector<160x128xf32>
    %eq3A_114 = arith.constant 22 : i32
    %eq3A_115 = vector.broadcast %eq3A_114 : i32 to vector<160x128xi32>
    %eq3A_116 = arith.cmpi eq, %iota3A, %eq3A_115 : vector<160x128xi32>
    %slice3A_117 = vector.extract_strided_slice %dot_general3A_5 {offsets = [3520, 0], sizes = [160, 128], strides = [1, 1]} : vector<20480x128xf32> to vector<160x128xf32>
    %select_n3A_118 = arith.select %eq3A_116, %slice3A_117, %select_n3A_113 : vector<160x128xi1>, vector<160x128xf32>
    %eq3A_119 = arith.constant 23 : i32
    %eq3A_120 = vector.broadcast %eq3A_119 : i32 to vector<160x128xi32>
    %eq3A_121 = arith.cmpi eq, %iota3A, %eq3A_120 : vector<160x128xi32>
    %slice3A_122 = vector.extract_strided_slice %dot_general3A_5 {offsets = [3680, 0], sizes = [160, 128], strides = [1, 1]} : vector<20480x128xf32> to vector<160x128xf32>
    %select_n3A_123 = arith.select %eq3A_121, %slice3A_122, %select_n3A_118 : vector<160x128xi1>, vector<160x128xf32>
    %eq3A_124 = arith.constant 24 : i32
    %eq3A_125 = vector.broadcast %eq3A_124 : i32 to vector<160x128xi32>
    %eq3A_126 = arith.cmpi eq, %iota3A, %eq3A_125 : vector<160x128xi32>
    %slice3A_127 = vector.extract_strided_slice %dot_general3A_5 {offsets = [3840, 0], sizes = [160, 128], strides = [1, 1]} : vector<20480x128xf32> to vector<160x128xf32>
    %select_n3A_128 = arith.select %eq3A_126, %slice3A_127, %select_n3A_123 : vector<160x128xi1>, vector<160x128xf32>
    %eq3A_129 = arith.constant 25 : i32
    %eq3A_130 = vector.broadcast %eq3A_129 : i32 to vector<160x128xi32>
    %eq3A_131 = arith.cmpi eq, %iota3A, %eq3A_130 : vector<160x128xi32>
    %slice3A_132 = vector.extract_strided_slice %dot_general3A_5 {offsets = [4000, 0], sizes = [160, 128], strides = [1, 1]} : vector<20480x128xf32> to vector<160x128xf32>
    %select_n3A_133 = arith.select %eq3A_131, %slice3A_132, %select_n3A_128 : vector<160x128xi1>, vector<160x128xf32>
    %eq3A_134 = arith.constant 26 : i32
    %eq3A_135 = vector.broadcast %eq3A_134 : i32 to vector<160x128xi32>
    %eq3A_136 = arith.cmpi eq, %iota3A, %eq3A_135 : vector<160x128xi32>
    %slice3A_137 = vector.extract_strided_slice %dot_general3A_5 {offsets = [4160, 0], sizes = [160, 128], strides = [1, 1]} : vector<20480x128xf32> to vector<160x128xf32>
    %select_n3A_138 = arith.select %eq3A_136, %slice3A_137, %select_n3A_133 : vector<160x128xi1>, vector<160x128xf32>
    %eq3A_139 = arith.constant 27 : i32
    %eq3A_140 = vector.broadcast %eq3A_139 : i32 to vector<160x128xi32>
    %eq3A_141 = arith.cmpi eq, %iota3A, %eq3A_140 : vector<160x128xi32>
    %slice3A_142 = vector.extract_strided_slice %dot_general3A_5 {offsets = [4320, 0], sizes = [160, 128], strides = [1, 1]} : vector<20480x128xf32> to vector<160x128xf32>
    %select_n3A_143 = arith.select %eq3A_141, %slice3A_142, %select_n3A_138 : vector<160x128xi1>, vector<160x128xf32>
    %eq3A_144 = arith.constant 28 : i32
    %eq3A_145 = vector.broadcast %eq3A_144 : i32 to vector<160x128xi32>
    %eq3A_146 = arith.cmpi eq, %iota3A, %eq3A_145 : vector<160x128xi32>
    %slice3A_147 = vector.extract_strided_slice %dot_general3A_5 {offsets = [4480, 0], sizes = [160, 128], strides = [1, 1]} : vector<20480x128xf32> to vector<160x128xf32>
    %select_n3A_148 = arith.select %eq3A_146, %slice3A_147, %select_n3A_143 : vector<160x128xi1>, vector<160x128xf32>
    %eq3A_149 = arith.constant 29 : i32
    %eq3A_150 = vector.broadcast %eq3A_149 : i32 to vector<160x128xi32>
    %eq3A_151 = arith.cmpi eq, %iota3A, %eq3A_150 : vector<160x128xi32>
    %slice3A_152 = vector.extract_strided_slice %dot_general3A_5 {offsets = [4640, 0], sizes = [160, 128], strides = [1, 1]} : vector<20480x128xf32> to vector<160x128xf32>
    %select_n3A_153 = arith.select %eq3A_151, %slice3A_152, %select_n3A_148 : vector<160x128xi1>, vector<160x128xf32>
    %eq3A_154 = arith.constant 30 : i32
    %eq3A_155 = vector.broadcast %eq3A_154 : i32 to vector<160x128xi32>
    %eq3A_156 = arith.cmpi eq, %iota3A, %eq3A_155 : vector<160x128xi32>
    %slice3A_157 = vector.extract_strided_slice %dot_general3A_5 {offsets = [4800, 0], sizes = [160, 128], strides = [1, 1]} : vector<20480x128xf32> to vector<160x128xf32>
    %select_n3A_158 = arith.select %eq3A_156, %slice3A_157, %select_n3A_153 : vector<160x128xi1>, vector<160x128xf32>
    %eq3A_159 = arith.constant 31 : i32
    %eq3A_160 = vector.broadcast %eq3A_159 : i32 to vector<160x128xi32>
    %eq3A_161 = arith.cmpi eq, %iota3A, %eq3A_160 : vector<160x128xi32>
    %slice3A_162 = vector.extract_strided_slice %dot_general3A_5 {offsets = [4960, 0], sizes = [160, 128], strides = [1, 1]} : vector<20480x128xf32> to vector<160x128xf32>
    %select_n3A_163 = arith.select %eq3A_161, %slice3A_162, %select_n3A_158 : vector<160x128xi1>, vector<160x128xf32>
    %eq3A_164 = arith.constant 32 : i32
    %eq3A_165 = vector.broadcast %eq3A_164 : i32 to vector<160x128xi32>
    %eq3A_166 = arith.cmpi eq, %iota3A, %eq3A_165 : vector<160x128xi32>
    %slice3A_167 = vector.extract_strided_slice %dot_general3A_5 {offsets = [5120, 0], sizes = [160, 128], strides = [1, 1]} : vector<20480x128xf32> to vector<160x128xf32>
    %select_n3A_168 = arith.select %eq3A_166, %slice3A_167, %select_n3A_163 : vector<160x128xi1>, vector<160x128xf32>
    %eq3A_169 = arith.constant 33 : i32
    %eq3A_170 = vector.broadcast %eq3A_169 : i32 to vector<160x128xi32>
    %eq3A_171 = arith.cmpi eq, %iota3A, %eq3A_170 : vector<160x128xi32>
    %slice3A_172 = vector.extract_strided_slice %dot_general3A_5 {offsets = [5280, 0], sizes = [160, 128], strides = [1, 1]} : vector<20480x128xf32> to vector<160x128xf32>
    %select_n3A_173 = arith.select %eq3A_171, %slice3A_172, %select_n3A_168 : vector<160x128xi1>, vector<160x128xf32>
    %eq3A_174 = arith.constant 34 : i32
    %eq3A_175 = vector.broadcast %eq3A_174 : i32 to vector<160x128xi32>
    %eq3A_176 = arith.cmpi eq, %iota3A, %eq3A_175 : vector<160x128xi32>
    %slice3A_177 = vector.extract_strided_slice %dot_general3A_5 {offsets = [5440, 0], sizes = [160, 128], strides = [1, 1]} : vector<20480x128xf32> to vector<160x128xf32>
    %select_n3A_178 = arith.select %eq3A_176, %slice3A_177, %select_n3A_173 : vector<160x128xi1>, vector<160x128xf32>
    %eq3A_179 = arith.constant 35 : i32
    %eq3A_180 = vector.broadcast %eq3A_179 : i32 to vector<160x128xi32>
    %eq3A_181 = arith.cmpi eq, %iota3A, %eq3A_180 : vector<160x128xi32>
    %slice3A_182 = vector.extract_strided_slice %dot_general3A_5 {offsets = [5600, 0], sizes = [160, 128], strides = [1, 1]} : vector<20480x128xf32> to vector<160x128xf32>
    %select_n3A_183 = arith.select %eq3A_181, %slice3A_182, %select_n3A_178 : vector<160x128xi1>, vector<160x128xf32>
    %eq3A_184 = arith.constant 36 : i32
    %eq3A_185 = vector.broadcast %eq3A_184 : i32 to vector<160x128xi32>
    %eq3A_186 = arith.cmpi eq, %iota3A, %eq3A_185 : vector<160x128xi32>
    %slice3A_187 = vector.extract_strided_slice %dot_general3A_5 {offsets = [5760, 0], sizes = [160, 128], strides = [1, 1]} : vector<20480x128xf32> to vector<160x128xf32>
    %select_n3A_188 = arith.select %eq3A_186, %slice3A_187, %select_n3A_183 : vector<160x128xi1>, vector<160x128xf32>
    %eq3A_189 = arith.constant 37 : i32
    %eq3A_190 = vector.broadcast %eq3A_189 : i32 to vector<160x128xi32>
    %eq3A_191 = arith.cmpi eq, %iota3A, %eq3A_190 : vector<160x128xi32>
    %slice3A_192 = vector.extract_strided_slice %dot_general3A_5 {offsets = [5920, 0], sizes = [160, 128], strides = [1, 1]} : vector<20480x128xf32> to vector<160x128xf32>
    %select_n3A_193 = arith.select %eq3A_191, %slice3A_192, %select_n3A_188 : vector<160x128xi1>, vector<160x128xf32>
    %eq3A_194 = arith.constant 38 : i32
    %eq3A_195 = vector.broadcast %eq3A_194 : i32 to vector<160x128xi32>
    %eq3A_196 = arith.cmpi eq, %iota3A, %eq3A_195 : vector<160x128xi32>
    %slice3A_197 = vector.extract_strided_slice %dot_general3A_5 {offsets = [6080, 0], sizes = [160, 128], strides = [1, 1]} : vector<20480x128xf32> to vector<160x128xf32>
    %select_n3A_198 = arith.select %eq3A_196, %slice3A_197, %select_n3A_193 : vector<160x128xi1>, vector<160x128xf32>
    %eq3A_199 = arith.constant 39 : i32
    %eq3A_200 = vector.broadcast %eq3A_199 : i32 to vector<160x128xi32>
    %eq3A_201 = arith.cmpi eq, %iota3A, %eq3A_200 : vector<160x128xi32>
    %slice3A_202 = vector.extract_strided_slice %dot_general3A_5 {offsets = [6240, 0], sizes = [160, 128], strides = [1, 1]} : vector<20480x128xf32> to vector<160x128xf32>
    %select_n3A_203 = arith.select %eq3A_201, %slice3A_202, %select_n3A_198 : vector<160x128xi1>, vector<160x128xf32>
    %eq3A_204 = arith.constant 40 : i32
    %eq3A_205 = vector.broadcast %eq3A_204 : i32 to vector<160x128xi32>
    %eq3A_206 = arith.cmpi eq, %iota3A, %eq3A_205 : vector<160x128xi32>
    %slice3A_207 = vector.extract_strided_slice %dot_general3A_5 {offsets = [6400, 0], sizes = [160, 128], strides = [1, 1]} : vector<20480x128xf32> to vector<160x128xf32>
    %select_n3A_208 = arith.select %eq3A_206, %slice3A_207, %select_n3A_203 : vector<160x128xi1>, vector<160x128xf32>
    %eq3A_209 = arith.constant 41 : i32
    %eq3A_210 = vector.broadcast %eq3A_209 : i32 to vector<160x128xi32>
    %eq3A_211 = arith.cmpi eq, %iota3A, %eq3A_210 : vector<160x128xi32>
    %slice3A_212 = vector.extract_strided_slice %dot_general3A_5 {offsets = [6560, 0], sizes = [160, 128], strides = [1, 1]} : vector<20480x128xf32> to vector<160x128xf32>
    %select_n3A_213 = arith.select %eq3A_211, %slice3A_212, %select_n3A_208 : vector<160x128xi1>, vector<160x128xf32>
    %eq3A_214 = arith.constant 42 : i32
    %eq3A_215 = vector.broadcast %eq3A_214 : i32 to vector<160x128xi32>
    %eq3A_216 = arith.cmpi eq, %iota3A, %eq3A_215 : vector<160x128xi32>
    %slice3A_217 = vector.extract_strided_slice %dot_general3A_5 {offsets = [6720, 0], sizes = [160, 128], strides = [1, 1]} : vector<20480x128xf32> to vector<160x128xf32>
    %select_n3A_218 = arith.select %eq3A_216, %slice3A_217, %select_n3A_213 : vector<160x128xi1>, vector<160x128xf32>
    %eq3A_219 = arith.constant 43 : i32
    %eq3A_220 = vector.broadcast %eq3A_219 : i32 to vector<160x128xi32>
    %eq3A_221 = arith.cmpi eq, %iota3A, %eq3A_220 : vector<160x128xi32>
    %slice3A_222 = vector.extract_strided_slice %dot_general3A_5 {offsets = [6880, 0], sizes = [160, 128], strides = [1, 1]} : vector<20480x128xf32> to vector<160x128xf32>
    %select_n3A_223 = arith.select %eq3A_221, %slice3A_222, %select_n3A_218 : vector<160x128xi1>, vector<160x128xf32>
    %eq3A_224 = arith.constant 44 : i32
    %eq3A_225 = vector.broadcast %eq3A_224 : i32 to vector<160x128xi32>
    %eq3A_226 = arith.cmpi eq, %iota3A, %eq3A_225 : vector<160x128xi32>
    %slice3A_227 = vector.extract_strided_slice %dot_general3A_5 {offsets = [7040, 0], sizes = [160, 128], strides = [1, 1]} : vector<20480x128xf32> to vector<160x128xf32>
    %select_n3A_228 = arith.select %eq3A_226, %slice3A_227, %select_n3A_223 : vector<160x128xi1>, vector<160x128xf32>
    %eq3A_229 = arith.constant 45 : i32
    %eq3A_230 = vector.broadcast %eq3A_229 : i32 to vector<160x128xi32>
    %eq3A_231 = arith.cmpi eq, %iota3A, %eq3A_230 : vector<160x128xi32>
    %slice3A_232 = vector.extract_strided_slice %dot_general3A_5 {offsets = [7200, 0], sizes = [160, 128], strides = [1, 1]} : vector<20480x128xf32> to vector<160x128xf32>
    %select_n3A_233 = arith.select %eq3A_231, %slice3A_232, %select_n3A_228 : vector<160x128xi1>, vector<160x128xf32>
    %eq3A_234 = arith.constant 46 : i32
    %eq3A_235 = vector.broadcast %eq3A_234 : i32 to vector<160x128xi32>
    %eq3A_236 = arith.cmpi eq, %iota3A, %eq3A_235 : vector<160x128xi32>
    %slice3A_237 = vector.extract_strided_slice %dot_general3A_5 {offsets = [7360, 0], sizes = [160, 128], strides = [1, 1]} : vector<20480x128xf32> to vector<160x128xf32>
    %select_n3A_238 = arith.select %eq3A_236, %slice3A_237, %select_n3A_233 : vector<160x128xi1>, vector<160x128xf32>
    %eq3A_239 = arith.constant 47 : i32
    %eq3A_240 = vector.broadcast %eq3A_239 : i32 to vector<160x128xi32>
    %eq3A_241 = arith.cmpi eq, %iota3A, %eq3A_240 : vector<160x128xi32>
    %slice3A_242 = vector.extract_strided_slice %dot_general3A_5 {offsets = [7520, 0], sizes = [160, 128], strides = [1, 1]} : vector<20480x128xf32> to vector<160x128xf32>
    %select_n3A_243 = arith.select %eq3A_241, %slice3A_242, %select_n3A_238 : vector<160x128xi1>, vector<160x128xf32>
    %eq3A_244 = arith.constant 48 : i32
    %eq3A_245 = vector.broadcast %eq3A_244 : i32 to vector<160x128xi32>
    %eq3A_246 = arith.cmpi eq, %iota3A, %eq3A_245 : vector<160x128xi32>
    %slice3A_247 = vector.extract_strided_slice %dot_general3A_5 {offsets = [7680, 0], sizes = [160, 128], strides = [1, 1]} : vector<20480x128xf32> to vector<160x128xf32>
    %select_n3A_248 = arith.select %eq3A_246, %slice3A_247, %select_n3A_243 : vector<160x128xi1>, vector<160x128xf32>
    %eq3A_249 = arith.constant 49 : i32
    %eq3A_250 = vector.broadcast %eq3A_249 : i32 to vector<160x128xi32>
    %eq3A_251 = arith.cmpi eq, %iota3A, %eq3A_250 : vector<160x128xi32>
    %slice3A_252 = vector.extract_strided_slice %dot_general3A_5 {offsets = [7840, 0], sizes = [160, 128], strides = [1, 1]} : vector<20480x128xf32> to vector<160x128xf32>
    %select_n3A_253 = arith.select %eq3A_251, %slice3A_252, %select_n3A_248 : vector<160x128xi1>, vector<160x128xf32>
    %eq3A_254 = arith.constant 50 : i32
    %eq3A_255 = vector.broadcast %eq3A_254 : i32 to vector<160x128xi32>
    %eq3A_256 = arith.cmpi eq, %iota3A, %eq3A_255 : vector<160x128xi32>
    %slice3A_257 = vector.extract_strided_slice %dot_general3A_5 {offsets = [8000, 0], sizes = [160, 128], strides = [1, 1]} : vector<20480x128xf32> to vector<160x128xf32>
    %select_n3A_258 = arith.select %eq3A_256, %slice3A_257, %select_n3A_253 : vector<160x128xi1>, vector<160x128xf32>
    %eq3A_259 = arith.constant 51 : i32
    %eq3A_260 = vector.broadcast %eq3A_259 : i32 to vector<160x128xi32>
    %eq3A_261 = arith.cmpi eq, %iota3A, %eq3A_260 : vector<160x128xi32>
    %slice3A_262 = vector.extract_strided_slice %dot_general3A_5 {offsets = [8160, 0], sizes = [160, 128], strides = [1, 1]} : vector<20480x128xf32> to vector<160x128xf32>
    %select_n3A_263 = arith.select %eq3A_261, %slice3A_262, %select_n3A_258 : vector<160x128xi1>, vector<160x128xf32>
    %eq3A_264 = arith.constant 52 : i32
    %eq3A_265 = vector.broadcast %eq3A_264 : i32 to vector<160x128xi32>
    %eq3A_266 = arith.cmpi eq, %iota3A, %eq3A_265 : vector<160x128xi32>
    %slice3A_267 = vector.extract_strided_slice %dot_general3A_5 {offsets = [8320, 0], sizes = [160, 128], strides = [1, 1]} : vector<20480x128xf32> to vector<160x128xf32>
    %select_n3A_268 = arith.select %eq3A_266, %slice3A_267, %select_n3A_263 : vector<160x128xi1>, vector<160x128xf32>
    %eq3A_269 = arith.constant 53 : i32
    %eq3A_270 = vector.broadcast %eq3A_269 : i32 to vector<160x128xi32>
    %eq3A_271 = arith.cmpi eq, %iota3A, %eq3A_270 : vector<160x128xi32>
    %slice3A_272 = vector.extract_strided_slice %dot_general3A_5 {offsets = [8480, 0], sizes = [160, 128], strides = [1, 1]} : vector<20480x128xf32> to vector<160x128xf32>
    %select_n3A_273 = arith.select %eq3A_271, %slice3A_272, %select_n3A_268 : vector<160x128xi1>, vector<160x128xf32>
    %eq3A_274 = arith.constant 54 : i32
    %eq3A_275 = vector.broadcast %eq3A_274 : i32 to vector<160x128xi32>
    %eq3A_276 = arith.cmpi eq, %iota3A, %eq3A_275 : vector<160x128xi32>
    %slice3A_277 = vector.extract_strided_slice %dot_general3A_5 {offsets = [8640, 0], sizes = [160, 128], strides = [1, 1]} : vector<20480x128xf32> to vector<160x128xf32>
    %select_n3A_278 = arith.select %eq3A_276, %slice3A_277, %select_n3A_273 : vector<160x128xi1>, vector<160x128xf32>
    %eq3A_279 = arith.constant 55 : i32
    %eq3A_280 = vector.broadcast %eq3A_279 : i32 to vector<160x128xi32>
    %eq3A_281 = arith.cmpi eq, %iota3A, %eq3A_280 : vector<160x128xi32>
    %slice3A_282 = vector.extract_strided_slice %dot_general3A_5 {offsets = [8800, 0], sizes = [160, 128], strides = [1, 1]} : vector<20480x128xf32> to vector<160x128xf32>
    %select_n3A_283 = arith.select %eq3A_281, %slice3A_282, %select_n3A_278 : vector<160x128xi1>, vector<160x128xf32>
    %eq3A_284 = arith.constant 56 : i32
    %eq3A_285 = vector.broadcast %eq3A_284 : i32 to vector<160x128xi32>
    %eq3A_286 = arith.cmpi eq, %iota3A, %eq3A_285 : vector<160x128xi32>
    %slice3A_287 = vector.extract_strided_slice %dot_general3A_5 {offsets = [8960, 0], sizes = [160, 128], strides = [1, 1]} : vector<20480x128xf32> to vector<160x128xf32>
    %select_n3A_288 = arith.select %eq3A_286, %slice3A_287, %select_n3A_283 : vector<160x128xi1>, vector<160x128xf32>
    %eq3A_289 = arith.constant 57 : i32
    %eq3A_290 = vector.broadcast %eq3A_289 : i32 to vector<160x128xi32>
    %eq3A_291 = arith.cmpi eq, %iota3A, %eq3A_290 : vector<160x128xi32>
    %slice3A_292 = vector.extract_strided_slice %dot_general3A_5 {offsets = [9120, 0], sizes = [160, 128], strides = [1, 1]} : vector<20480x128xf32> to vector<160x128xf32>
    %select_n3A_293 = arith.select %eq3A_291, %slice3A_292, %select_n3A_288 : vector<160x128xi1>, vector<160x128xf32>
    %eq3A_294 = arith.constant 58 : i32
    %eq3A_295 = vector.broadcast %eq3A_294 : i32 to vector<160x128xi32>
    %eq3A_296 = arith.cmpi eq, %iota3A, %eq3A_295 : vector<160x128xi32>
    %slice3A_297 = vector.extract_strided_slice %dot_general3A_5 {offsets = [9280, 0], sizes = [160, 128], strides = [1, 1]} : vector<20480x128xf32> to vector<160x128xf32>
    %select_n3A_298 = arith.select %eq3A_296, %slice3A_297, %select_n3A_293 : vector<160x128xi1>, vector<160x128xf32>
    %eq3A_299 = arith.constant 59 : i32
    %eq3A_300 = vector.broadcast %eq3A_299 : i32 to vector<160x128xi32>
    %eq3A_301 = arith.cmpi eq, %iota3A, %eq3A_300 : vector<160x128xi32>
    %slice3A_302 = vector.extract_strided_slice %dot_general3A_5 {offsets = [9440, 0], sizes = [160, 128], strides = [1, 1]} : vector<20480x128xf32> to vector<160x128xf32>
    %select_n3A_303 = arith.select %eq3A_301, %slice3A_302, %select_n3A_298 : vector<160x128xi1>, vector<160x128xf32>
    %eq3A_304 = arith.constant 60 : i32
    %eq3A_305 = vector.broadcast %eq3A_304 : i32 to vector<160x128xi32>
    %eq3A_306 = arith.cmpi eq, %iota3A, %eq3A_305 : vector<160x128xi32>
    %slice3A_307 = vector.extract_strided_slice %dot_general3A_5 {offsets = [9600, 0], sizes = [160, 128], strides = [1, 1]} : vector<20480x128xf32> to vector<160x128xf32>
    %select_n3A_308 = arith.select %eq3A_306, %slice3A_307, %select_n3A_303 : vector<160x128xi1>, vector<160x128xf32>
    %eq3A_309 = arith.constant 61 : i32
    %eq3A_310 = vector.broadcast %eq3A_309 : i32 to vector<160x128xi32>
    %eq3A_311 = arith.cmpi eq, %iota3A, %eq3A_310 : vector<160x128xi32>
    %slice3A_312 = vector.extract_strided_slice %dot_general3A_5 {offsets = [9760, 0], sizes = [160, 128], strides = [1, 1]} : vector<20480x128xf32> to vector<160x128xf32>
    %select_n3A_313 = arith.select %eq3A_311, %slice3A_312, %select_n3A_308 : vector<160x128xi1>, vector<160x128xf32>
    %eq3A_314 = arith.constant 62 : i32
    %eq3A_315 = vector.broadcast %eq3A_314 : i32 to vector<160x128xi32>
    %eq3A_316 = arith.cmpi eq, %iota3A, %eq3A_315 : vector<160x128xi32>
    %slice3A_317 = vector.extract_strided_slice %dot_general3A_5 {offsets = [9920, 0], sizes = [160, 128], strides = [1, 1]} : vector<20480x128xf32> to vector<160x128xf32>
    %select_n3A_318 = arith.select %eq3A_316, %slice3A_317, %select_n3A_313 : vector<160x128xi1>, vector<160x128xf32>
    %eq3A_319 = arith.constant 63 : i32
    %eq3A_320 = vector.broadcast %eq3A_319 : i32 to vector<160x128xi32>
    %eq3A_321 = arith.cmpi eq, %iota3A, %eq3A_320 : vector<160x128xi32>
    %slice3A_322 = vector.extract_strided_slice %dot_general3A_5 {offsets = [10080, 0], sizes = [160, 128], strides = [1, 1]} : vector<20480x128xf32> to vector<160x128xf32>
    %select_n3A_323 = arith.select %eq3A_321, %slice3A_322, %select_n3A_318 : vector<160x128xi1>, vector<160x128xf32>
    %eq3A_324 = arith.constant 64 : i32
    %eq3A_325 = vector.broadcast %eq3A_324 : i32 to vector<160x128xi32>
    %eq3A_326 = arith.cmpi eq, %iota3A, %eq3A_325 : vector<160x128xi32>
    %slice3A_327 = vector.extract_strided_slice %dot_general3A_5 {offsets = [10240, 0], sizes = [160, 128], strides = [1, 1]} : vector<20480x128xf32> to vector<160x128xf32>
    %select_n3A_328 = arith.select %eq3A_326, %slice3A_327, %select_n3A_323 : vector<160x128xi1>, vector<160x128xf32>
    %eq3A_329 = arith.constant 65 : i32
    %eq3A_330 = vector.broadcast %eq3A_329 : i32 to vector<160x128xi32>
    %eq3A_331 = arith.cmpi eq, %iota3A, %eq3A_330 : vector<160x128xi32>
    %slice3A_332 = vector.extract_strided_slice %dot_general3A_5 {offsets = [10400, 0], sizes = [160, 128], strides = [1, 1]} : vector<20480x128xf32> to vector<160x128xf32>
    %select_n3A_333 = arith.select %eq3A_331, %slice3A_332, %select_n3A_328 : vector<160x128xi1>, vector<160x128xf32>
    %eq3A_334 = arith.constant 66 : i32
    %eq3A_335 = vector.broadcast %eq3A_334 : i32 to vector<160x128xi32>
    %eq3A_336 = arith.cmpi eq, %iota3A, %eq3A_335 : vector<160x128xi32>
    %slice3A_337 = vector.extract_strided_slice %dot_general3A_5 {offsets = [10560, 0], sizes = [160, 128], strides = [1, 1]} : vector<20480x128xf32> to vector<160x128xf32>
    %select_n3A_338 = arith.select %eq3A_336, %slice3A_337, %select_n3A_333 : vector<160x128xi1>, vector<160x128xf32>
    %eq3A_339 = arith.constant 67 : i32
    %eq3A_340 = vector.broadcast %eq3A_339 : i32 to vector<160x128xi32>
    %eq3A_341 = arith.cmpi eq, %iota3A, %eq3A_340 : vector<160x128xi32>
    %slice3A_342 = vector.extract_strided_slice %dot_general3A_5 {offsets = [10720, 0], sizes = [160, 128], strides = [1, 1]} : vector<20480x128xf32> to vector<160x128xf32>
    %select_n3A_343 = arith.select %eq3A_341, %slice3A_342, %select_n3A_338 : vector<160x128xi1>, vector<160x128xf32>
    %eq3A_344 = arith.constant 68 : i32
    %eq3A_345 = vector.broadcast %eq3A_344 : i32 to vector<160x128xi32>
    %eq3A_346 = arith.cmpi eq, %iota3A, %eq3A_345 : vector<160x128xi32>
    %slice3A_347 = vector.extract_strided_slice %dot_general3A_5 {offsets = [10880, 0], sizes = [160, 128], strides = [1, 1]} : vector<20480x128xf32> to vector<160x128xf32>
    %select_n3A_348 = arith.select %eq3A_346, %slice3A_347, %select_n3A_343 : vector<160x128xi1>, vector<160x128xf32>
    %eq3A_349 = arith.constant 69 : i32
    %eq3A_350 = vector.broadcast %eq3A_349 : i32 to vector<160x128xi32>
    %eq3A_351 = arith.cmpi eq, %iota3A, %eq3A_350 : vector<160x128xi32>
    %slice3A_352 = vector.extract_strided_slice %dot_general3A_5 {offsets = [11040, 0], sizes = [160, 128], strides = [1, 1]} : vector<20480x128xf32> to vector<160x128xf32>
    %select_n3A_353 = arith.select %eq3A_351, %slice3A_352, %select_n3A_348 : vector<160x128xi1>, vector<160x128xf32>
    %eq3A_354 = arith.constant 70 : i32
    %eq3A_355 = vector.broadcast %eq3A_354 : i32 to vector<160x128xi32>
    %eq3A_356 = arith.cmpi eq, %iota3A, %eq3A_355 : vector<160x128xi32>
    %slice3A_357 = vector.extract_strided_slice %dot_general3A_5 {offsets = [11200, 0], sizes = [160, 128], strides = [1, 1]} : vector<20480x128xf32> to vector<160x128xf32>
    %select_n3A_358 = arith.select %eq3A_356, %slice3A_357, %select_n3A_353 : vector<160x128xi1>, vector<160x128xf32>
    %eq3A_359 = arith.constant 71 : i32
    %eq3A_360 = vector.broadcast %eq3A_359 : i32 to vector<160x128xi32>
    %eq3A_361 = arith.cmpi eq, %iota3A, %eq3A_360 : vector<160x128xi32>
    %slice3A_362 = vector.extract_strided_slice %dot_general3A_5 {offsets = [11360, 0], sizes = [160, 128], strides = [1, 1]} : vector<20480x128xf32> to vector<160x128xf32>
    %select_n3A_363 = arith.select %eq3A_361, %slice3A_362, %select_n3A_358 : vector<160x128xi1>, vector<160x128xf32>
    %eq3A_364 = arith.constant 72 : i32
    %eq3A_365 = vector.broadcast %eq3A_364 : i32 to vector<160x128xi32>
    %eq3A_366 = arith.cmpi eq, %iota3A, %eq3A_365 : vector<160x128xi32>
    %slice3A_367 = vector.extract_strided_slice %dot_general3A_5 {offsets = [11520, 0], sizes = [160, 128], strides = [1, 1]} : vector<20480x128xf32> to vector<160x128xf32>
    %select_n3A_368 = arith.select %eq3A_366, %slice3A_367, %select_n3A_363 : vector<160x128xi1>, vector<160x128xf32>
    %eq3A_369 = arith.constant 73 : i32
    %eq3A_370 = vector.broadcast %eq3A_369 : i32 to vector<160x128xi32>
    %eq3A_371 = arith.cmpi eq, %iota3A, %eq3A_370 : vector<160x128xi32>
    %slice3A_372 = vector.extract_strided_slice %dot_general3A_5 {offsets = [11680, 0], sizes = [160, 128], strides = [1, 1]} : vector<20480x128xf32> to vector<160x128xf32>
    %select_n3A_373 = arith.select %eq3A_371, %slice3A_372, %select_n3A_368 : vector<160x128xi1>, vector<160x128xf32>
    %eq3A_374 = arith.constant 74 : i32
    %eq3A_375 = vector.broadcast %eq3A_374 : i32 to vector<160x128xi32>
    %eq3A_376 = arith.cmpi eq, %iota3A, %eq3A_375 : vector<160x128xi32>
    %slice3A_377 = vector.extract_strided_slice %dot_general3A_5 {offsets = [11840, 0], sizes = [160, 128], strides = [1, 1]} : vector<20480x128xf32> to vector<160x128xf32>
    %select_n3A_378 = arith.select %eq3A_376, %slice3A_377, %select_n3A_373 : vector<160x128xi1>, vector<160x128xf32>
    %eq3A_379 = arith.constant 75 : i32
    %eq3A_380 = vector.broadcast %eq3A_379 : i32 to vector<160x128xi32>
    %eq3A_381 = arith.cmpi eq, %iota3A, %eq3A_380 : vector<160x128xi32>
    %slice3A_382 = vector.extract_strided_slice %dot_general3A_5 {offsets = [12000, 0], sizes = [160, 128], strides = [1, 1]} : vector<20480x128xf32> to vector<160x128xf32>
    %select_n3A_383 = arith.select %eq3A_381, %slice3A_382, %select_n3A_378 : vector<160x128xi1>, vector<160x128xf32>
    %eq3A_384 = arith.constant 76 : i32
    %eq3A_385 = vector.broadcast %eq3A_384 : i32 to vector<160x128xi32>
    %eq3A_386 = arith.cmpi eq, %iota3A, %eq3A_385 : vector<160x128xi32>
    %slice3A_387 = vector.extract_strided_slice %dot_general3A_5 {offsets = [12160, 0], sizes = [160, 128], strides = [1, 1]} : vector<20480x128xf32> to vector<160x128xf32>
    %select_n3A_388 = arith.select %eq3A_386, %slice3A_387, %select_n3A_383 : vector<160x128xi1>, vector<160x128xf32>
    %eq3A_389 = arith.constant 77 : i32
    %eq3A_390 = vector.broadcast %eq3A_389 : i32 to vector<160x128xi32>
    %eq3A_391 = arith.cmpi eq, %iota3A, %eq3A_390 : vector<160x128xi32>
    %slice3A_392 = vector.extract_strided_slice %dot_general3A_5 {offsets = [12320, 0], sizes = [160, 128], strides = [1, 1]} : vector<20480x128xf32> to vector<160x128xf32>
    %select_n3A_393 = arith.select %eq3A_391, %slice3A_392, %select_n3A_388 : vector<160x128xi1>, vector<160x128xf32>
    %eq3A_394 = arith.constant 78 : i32
    %eq3A_395 = vector.broadcast %eq3A_394 : i32 to vector<160x128xi32>
    %eq3A_396 = arith.cmpi eq, %iota3A, %eq3A_395 : vector<160x128xi32>
    %slice3A_397 = vector.extract_strided_slice %dot_general3A_5 {offsets = [12480, 0], sizes = [160, 128], strides = [1, 1]} : vector<20480x128xf32> to vector<160x128xf32>
    %select_n3A_398 = arith.select %eq3A_396, %slice3A_397, %select_n3A_393 : vector<160x128xi1>, vector<160x128xf32>
    %eq3A_399 = arith.constant 79 : i32
    %eq3A_400 = vector.broadcast %eq3A_399 : i32 to vector<160x128xi32>
    %eq3A_401 = arith.cmpi eq, %iota3A, %eq3A_400 : vector<160x128xi32>
    %slice3A_402 = vector.extract_strided_slice %dot_general3A_5 {offsets = [12640, 0], sizes = [160, 128], strides = [1, 1]} : vector<20480x128xf32> to vector<160x128xf32>
    %select_n3A_403 = arith.select %eq3A_401, %slice3A_402, %select_n3A_398 : vector<160x128xi1>, vector<160x128xf32>
    %eq3A_404 = arith.constant 80 : i32
    %eq3A_405 = vector.broadcast %eq3A_404 : i32 to vector<160x128xi32>
    %eq3A_406 = arith.cmpi eq, %iota3A, %eq3A_405 : vector<160x128xi32>
    %slice3A_407 = vector.extract_strided_slice %dot_general3A_5 {offsets = [12800, 0], sizes = [160, 128], strides = [1, 1]} : vector<20480x128xf32> to vector<160x128xf32>
    %select_n3A_408 = arith.select %eq3A_406, %slice3A_407, %select_n3A_403 : vector<160x128xi1>, vector<160x128xf32>
    %eq3A_409 = arith.constant 81 : i32
    %eq3A_410 = vector.broadcast %eq3A_409 : i32 to vector<160x128xi32>
    %eq3A_411 = arith.cmpi eq, %iota3A, %eq3A_410 : vector<160x128xi32>
    %slice3A_412 = vector.extract_strided_slice %dot_general3A_5 {offsets = [12960, 0], sizes = [160, 128], strides = [1, 1]} : vector<20480x128xf32> to vector<160x128xf32>
    %select_n3A_413 = arith.select %eq3A_411, %slice3A_412, %select_n3A_408 : vector<160x128xi1>, vector<160x128xf32>
    %eq3A_414 = arith.constant 82 : i32
    %eq3A_415 = vector.broadcast %eq3A_414 : i32 to vector<160x128xi32>
    %eq3A_416 = arith.cmpi eq, %iota3A, %eq3A_415 : vector<160x128xi32>
    %slice3A_417 = vector.extract_strided_slice %dot_general3A_5 {offsets = [13120, 0], sizes = [160, 128], strides = [1, 1]} : vector<20480x128xf32> to vector<160x128xf32>
    %select_n3A_418 = arith.select %eq3A_416, %slice3A_417, %select_n3A_413 : vector<160x128xi1>, vector<160x128xf32>
    %eq3A_419 = arith.constant 83 : i32
    %eq3A_420 = vector.broadcast %eq3A_419 : i32 to vector<160x128xi32>
    %eq3A_421 = arith.cmpi eq, %iota3A, %eq3A_420 : vector<160x128xi32>
    %slice3A_422 = vector.extract_strided_slice %dot_general3A_5 {offsets = [13280, 0], sizes = [160, 128], strides = [1, 1]} : vector<20480x128xf32> to vector<160x128xf32>
    %select_n3A_423 = arith.select %eq3A_421, %slice3A_422, %select_n3A_418 : vector<160x128xi1>, vector<160x128xf32>
    %eq3A_424 = arith.constant 84 : i32
    %eq3A_425 = vector.broadcast %eq3A_424 : i32 to vector<160x128xi32>
    %eq3A_426 = arith.cmpi eq, %iota3A, %eq3A_425 : vector<160x128xi32>
    %slice3A_427 = vector.extract_strided_slice %dot_general3A_5 {offsets = [13440, 0], sizes = [160, 128], strides = [1, 1]} : vector<20480x128xf32> to vector<160x128xf32>
    %select_n3A_428 = arith.select %eq3A_426, %slice3A_427, %select_n3A_423 : vector<160x128xi1>, vector<160x128xf32>
    %eq3A_429 = arith.constant 85 : i32
    %eq3A_430 = vector.broadcast %eq3A_429 : i32 to vector<160x128xi32>
    %eq3A_431 = arith.cmpi eq, %iota3A, %eq3A_430 : vector<160x128xi32>
    %slice3A_432 = vector.extract_strided_slice %dot_general3A_5 {offsets = [13600, 0], sizes = [160, 128], strides = [1, 1]} : vector<20480x128xf32> to vector<160x128xf32>
    %select_n3A_433 = arith.select %eq3A_431, %slice3A_432, %select_n3A_428 : vector<160x128xi1>, vector<160x128xf32>
    %eq3A_434 = arith.constant 86 : i32
    %eq3A_435 = vector.broadcast %eq3A_434 : i32 to vector<160x128xi32>
    %eq3A_436 = arith.cmpi eq, %iota3A, %eq3A_435 : vector<160x128xi32>
    %slice3A_437 = vector.extract_strided_slice %dot_general3A_5 {offsets = [13760, 0], sizes = [160, 128], strides = [1, 1]} : vector<20480x128xf32> to vector<160x128xf32>
    %select_n3A_438 = arith.select %eq3A_436, %slice3A_437, %select_n3A_433 : vector<160x128xi1>, vector<160x128xf32>
    %eq3A_439 = arith.constant 87 : i32
    %eq3A_440 = vector.broadcast %eq3A_439 : i32 to vector<160x128xi32>
    %eq3A_441 = arith.cmpi eq, %iota3A, %eq3A_440 : vector<160x128xi32>
    %slice3A_442 = vector.extract_strided_slice %dot_general3A_5 {offsets = [13920, 0], sizes = [160, 128], strides = [1, 1]} : vector<20480x128xf32> to vector<160x128xf32>
    %select_n3A_443 = arith.select %eq3A_441, %slice3A_442, %select_n3A_438 : vector<160x128xi1>, vector<160x128xf32>
    %eq3A_444 = arith.constant 88 : i32
    %eq3A_445 = vector.broadcast %eq3A_444 : i32 to vector<160x128xi32>
    %eq3A_446 = arith.cmpi eq, %iota3A, %eq3A_445 : vector<160x128xi32>
    %slice3A_447 = vector.extract_strided_slice %dot_general3A_5 {offsets = [14080, 0], sizes = [160, 128], strides = [1, 1]} : vector<20480x128xf32> to vector<160x128xf32>
    %select_n3A_448 = arith.select %eq3A_446, %slice3A_447, %select_n3A_443 : vector<160x128xi1>, vector<160x128xf32>
    %eq3A_449 = arith.constant 89 : i32
    %eq3A_450 = vector.broadcast %eq3A_449 : i32 to vector<160x128xi32>
    %eq3A_451 = arith.cmpi eq, %iota3A, %eq3A_450 : vector<160x128xi32>
    %slice3A_452 = vector.extract_strided_slice %dot_general3A_5 {offsets = [14240, 0], sizes = [160, 128], strides = [1, 1]} : vector<20480x128xf32> to vector<160x128xf32>
    %select_n3A_453 = arith.select %eq3A_451, %slice3A_452, %select_n3A_448 : vector<160x128xi1>, vector<160x128xf32>
    %eq3A_454 = arith.constant 90 : i32
    %eq3A_455 = vector.broadcast %eq3A_454 : i32 to vector<160x128xi32>
    %eq3A_456 = arith.cmpi eq, %iota3A, %eq3A_455 : vector<160x128xi32>
    %slice3A_457 = vector.extract_strided_slice %dot_general3A_5 {offsets = [14400, 0], sizes = [160, 128], strides = [1, 1]} : vector<20480x128xf32> to vector<160x128xf32>
    %select_n3A_458 = arith.select %eq3A_456, %slice3A_457, %select_n3A_453 : vector<160x128xi1>, vector<160x128xf32>
    %eq3A_459 = arith.constant 91 : i32
    %eq3A_460 = vector.broadcast %eq3A_459 : i32 to vector<160x128xi32>
    %eq3A_461 = arith.cmpi eq, %iota3A, %eq3A_460 : vector<160x128xi32>
    %slice3A_462 = vector.extract_strided_slice %dot_general3A_5 {offsets = [14560, 0], sizes = [160, 128], strides = [1, 1]} : vector<20480x128xf32> to vector<160x128xf32>
    %select_n3A_463 = arith.select %eq3A_461, %slice3A_462, %select_n3A_458 : vector<160x128xi1>, vector<160x128xf32>
    %eq3A_464 = arith.constant 92 : i32
    %eq3A_465 = vector.broadcast %eq3A_464 : i32 to vector<160x128xi32>
    %eq3A_466 = arith.cmpi eq, %iota3A, %eq3A_465 : vector<160x128xi32>
    %slice3A_467 = vector.extract_strided_slice %dot_general3A_5 {offsets = [14720, 0], sizes = [160, 128], strides = [1, 1]} : vector<20480x128xf32> to vector<160x128xf32>
    %select_n3A_468 = arith.select %eq3A_466, %slice3A_467, %select_n3A_463 : vector<160x128xi1>, vector<160x128xf32>
    %eq3A_469 = arith.constant 93 : i32
    %eq3A_470 = vector.broadcast %eq3A_469 : i32 to vector<160x128xi32>
    %eq3A_471 = arith.cmpi eq, %iota3A, %eq3A_470 : vector<160x128xi32>
    %slice3A_472 = vector.extract_strided_slice %dot_general3A_5 {offsets = [14880, 0], sizes = [160, 128], strides = [1, 1]} : vector<20480x128xf32> to vector<160x128xf32>
    %select_n3A_473 = arith.select %eq3A_471, %slice3A_472, %select_n3A_468 : vector<160x128xi1>, vector<160x128xf32>
    %eq3A_474 = arith.constant 94 : i32
    %eq3A_475 = vector.broadcast %eq3A_474 : i32 to vector<160x128xi32>
    %eq3A_476 = arith.cmpi eq, %iota3A, %eq3A_475 : vector<160x128xi32>
    %slice3A_477 = vector.extract_strided_slice %dot_general3A_5 {offsets = [15040, 0], sizes = [160, 128], strides = [1, 1]} : vector<20480x128xf32> to vector<160x128xf32>
    %select_n3A_478 = arith.select %eq3A_476, %slice3A_477, %select_n3A_473 : vector<160x128xi1>, vector<160x128xf32>
    %eq3A_479 = arith.constant 95 : i32
    %eq3A_480 = vector.broadcast %eq3A_479 : i32 to vector<160x128xi32>
    %eq3A_481 = arith.cmpi eq, %iota3A, %eq3A_480 : vector<160x128xi32>
    %slice3A_482 = vector.extract_strided_slice %dot_general3A_5 {offsets = [15200, 0], sizes = [160, 128], strides = [1, 1]} : vector<20480x128xf32> to vector<160x128xf32>
    %select_n3A_483 = arith.select %eq3A_481, %slice3A_482, %select_n3A_478 : vector<160x128xi1>, vector<160x128xf32>
    %eq3A_484 = arith.constant 96 : i32
    %eq3A_485 = vector.broadcast %eq3A_484 : i32 to vector<160x128xi32>
    %eq3A_486 = arith.cmpi eq, %iota3A, %eq3A_485 : vector<160x128xi32>
    %slice3A_487 = vector.extract_strided_slice %dot_general3A_5 {offsets = [15360, 0], sizes = [160, 128], strides = [1, 1]} : vector<20480x128xf32> to vector<160x128xf32>
    %select_n3A_488 = arith.select %eq3A_486, %slice3A_487, %select_n3A_483 : vector<160x128xi1>, vector<160x128xf32>
    %eq3A_489 = arith.constant 97 : i32
    %eq3A_490 = vector.broadcast %eq3A_489 : i32 to vector<160x128xi32>
    %eq3A_491 = arith.cmpi eq, %iota3A, %eq3A_490 : vector<160x128xi32>
    %slice3A_492 = vector.extract_strided_slice %dot_general3A_5 {offsets = [15520, 0], sizes = [160, 128], strides = [1, 1]} : vector<20480x128xf32> to vector<160x128xf32>
    %select_n3A_493 = arith.select %eq3A_491, %slice3A_492, %select_n3A_488 : vector<160x128xi1>, vector<160x128xf32>
    %eq3A_494 = arith.constant 98 : i32
    %eq3A_495 = vector.broadcast %eq3A_494 : i32 to vector<160x128xi32>
    %eq3A_496 = arith.cmpi eq, %iota3A, %eq3A_495 : vector<160x128xi32>
    %slice3A_497 = vector.extract_strided_slice %dot_general3A_5 {offsets = [15680, 0], sizes = [160, 128], strides = [1, 1]} : vector<20480x128xf32> to vector<160x128xf32>
    %select_n3A_498 = arith.select %eq3A_496, %slice3A_497, %select_n3A_493 : vector<160x128xi1>, vector<160x128xf32>
    %eq3A_499 = arith.constant 99 : i32
    %eq3A_500 = vector.broadcast %eq3A_499 : i32 to vector<160x128xi32>
    %eq3A_501 = arith.cmpi eq, %iota3A, %eq3A_500 : vector<160x128xi32>
    %slice3A_502 = vector.extract_strided_slice %dot_general3A_5 {offsets = [15840, 0], sizes = [160, 128], strides = [1, 1]} : vector<20480x128xf32> to vector<160x128xf32>
    %select_n3A_503 = arith.select %eq3A_501, %slice3A_502, %select_n3A_498 : vector<160x128xi1>, vector<160x128xf32>
    %eq3A_504 = arith.constant 100 : i32
    %eq3A_505 = vector.broadcast %eq3A_504 : i32 to vector<160x128xi32>
    %eq3A_506 = arith.cmpi eq, %iota3A, %eq3A_505 : vector<160x128xi32>
    %slice3A_507 = vector.extract_strided_slice %dot_general3A_5 {offsets = [16000, 0], sizes = [160, 128], strides = [1, 1]} : vector<20480x128xf32> to vector<160x128xf32>
    %select_n3A_508 = arith.select %eq3A_506, %slice3A_507, %select_n3A_503 : vector<160x128xi1>, vector<160x128xf32>
    %eq3A_509 = arith.constant 101 : i32
    %eq3A_510 = vector.broadcast %eq3A_509 : i32 to vector<160x128xi32>
    %eq3A_511 = arith.cmpi eq, %iota3A, %eq3A_510 : vector<160x128xi32>
    %slice3A_512 = vector.extract_strided_slice %dot_general3A_5 {offsets = [16160, 0], sizes = [160, 128], strides = [1, 1]} : vector<20480x128xf32> to vector<160x128xf32>
    %select_n3A_513 = arith.select %eq3A_511, %slice3A_512, %select_n3A_508 : vector<160x128xi1>, vector<160x128xf32>
    %eq3A_514 = arith.constant 102 : i32
    %eq3A_515 = vector.broadcast %eq3A_514 : i32 to vector<160x128xi32>
    %eq3A_516 = arith.cmpi eq, %iota3A, %eq3A_515 : vector<160x128xi32>
    %slice3A_517 = vector.extract_strided_slice %dot_general3A_5 {offsets = [16320, 0], sizes = [160, 128], strides = [1, 1]} : vector<20480x128xf32> to vector<160x128xf32>
    %select_n3A_518 = arith.select %eq3A_516, %slice3A_517, %select_n3A_513 : vector<160x128xi1>, vector<160x128xf32>
    %eq3A_519 = arith.constant 103 : i32
    %eq3A_520 = vector.broadcast %eq3A_519 : i32 to vector<160x128xi32>
    %eq3A_521 = arith.cmpi eq, %iota3A, %eq3A_520 : vector<160x128xi32>
    %slice3A_522 = vector.extract_strided_slice %dot_general3A_5 {offsets = [16480, 0], sizes = [160, 128], strides = [1, 1]} : vector<20480x128xf32> to vector<160x128xf32>
    %select_n3A_523 = arith.select %eq3A_521, %slice3A_522, %select_n3A_518 : vector<160x128xi1>, vector<160x128xf32>
    %eq3A_524 = arith.constant 104 : i32
    %eq3A_525 = vector.broadcast %eq3A_524 : i32 to vector<160x128xi32>
    %eq3A_526 = arith.cmpi eq, %iota3A, %eq3A_525 : vector<160x128xi32>
    %slice3A_527 = vector.extract_strided_slice %dot_general3A_5 {offsets = [16640, 0], sizes = [160, 128], strides = [1, 1]} : vector<20480x128xf32> to vector<160x128xf32>
    %select_n3A_528 = arith.select %eq3A_526, %slice3A_527, %select_n3A_523 : vector<160x128xi1>, vector<160x128xf32>
    %eq3A_529 = arith.constant 105 : i32
    %eq3A_530 = vector.broadcast %eq3A_529 : i32 to vector<160x128xi32>
    %eq3A_531 = arith.cmpi eq, %iota3A, %eq3A_530 : vector<160x128xi32>
    %slice3A_532 = vector.extract_strided_slice %dot_general3A_5 {offsets = [16800, 0], sizes = [160, 128], strides = [1, 1]} : vector<20480x128xf32> to vector<160x128xf32>
    %select_n3A_533 = arith.select %eq3A_531, %slice3A_532, %select_n3A_528 : vector<160x128xi1>, vector<160x128xf32>
    %eq3A_534 = arith.constant 106 : i32
    %eq3A_535 = vector.broadcast %eq3A_534 : i32 to vector<160x128xi32>
    %eq3A_536 = arith.cmpi eq, %iota3A, %eq3A_535 : vector<160x128xi32>
    %slice3A_537 = vector.extract_strided_slice %dot_general3A_5 {offsets = [16960, 0], sizes = [160, 128], strides = [1, 1]} : vector<20480x128xf32> to vector<160x128xf32>
    %select_n3A_538 = arith.select %eq3A_536, %slice3A_537, %select_n3A_533 : vector<160x128xi1>, vector<160x128xf32>
    %eq3A_539 = arith.constant 107 : i32
    %eq3A_540 = vector.broadcast %eq3A_539 : i32 to vector<160x128xi32>
    %eq3A_541 = arith.cmpi eq, %iota3A, %eq3A_540 : vector<160x128xi32>
    %slice3A_542 = vector.extract_strided_slice %dot_general3A_5 {offsets = [17120, 0], sizes = [160, 128], strides = [1, 1]} : vector<20480x128xf32> to vector<160x128xf32>
    %select_n3A_543 = arith.select %eq3A_541, %slice3A_542, %select_n3A_538 : vector<160x128xi1>, vector<160x128xf32>
    %eq3A_544 = arith.constant 108 : i32
    %eq3A_545 = vector.broadcast %eq3A_544 : i32 to vector<160x128xi32>
    %eq3A_546 = arith.cmpi eq, %iota3A, %eq3A_545 : vector<160x128xi32>
    %slice3A_547 = vector.extract_strided_slice %dot_general3A_5 {offsets = [17280, 0], sizes = [160, 128], strides = [1, 1]} : vector<20480x128xf32> to vector<160x128xf32>
    %select_n3A_548 = arith.select %eq3A_546, %slice3A_547, %select_n3A_543 : vector<160x128xi1>, vector<160x128xf32>
    %eq3A_549 = arith.constant 109 : i32
    %eq3A_550 = vector.broadcast %eq3A_549 : i32 to vector<160x128xi32>
    %eq3A_551 = arith.cmpi eq, %iota3A, %eq3A_550 : vector<160x128xi32>
    %slice3A_552 = vector.extract_strided_slice %dot_general3A_5 {offsets = [17440, 0], sizes = [160, 128], strides = [1, 1]} : vector<20480x128xf32> to vector<160x128xf32>
    %select_n3A_553 = arith.select %eq3A_551, %slice3A_552, %select_n3A_548 : vector<160x128xi1>, vector<160x128xf32>
    %eq3A_554 = arith.constant 110 : i32
    %eq3A_555 = vector.broadcast %eq3A_554 : i32 to vector<160x128xi32>
    %eq3A_556 = arith.cmpi eq, %iota3A, %eq3A_555 : vector<160x128xi32>
    %slice3A_557 = vector.extract_strided_slice %dot_general3A_5 {offsets = [17600, 0], sizes = [160, 128], strides = [1, 1]} : vector<20480x128xf32> to vector<160x128xf32>
    %select_n3A_558 = arith.select %eq3A_556, %slice3A_557, %select_n3A_553 : vector<160x128xi1>, vector<160x128xf32>
    %eq3A_559 = arith.constant 111 : i32
    %eq3A_560 = vector.broadcast %eq3A_559 : i32 to vector<160x128xi32>
    %eq3A_561 = arith.cmpi eq, %iota3A, %eq3A_560 : vector<160x128xi32>
    %slice3A_562 = vector.extract_strided_slice %dot_general3A_5 {offsets = [17760, 0], sizes = [160, 128], strides = [1, 1]} : vector<20480x128xf32> to vector<160x128xf32>
    %select_n3A_563 = arith.select %eq3A_561, %slice3A_562, %select_n3A_558 : vector<160x128xi1>, vector<160x128xf32>
    %eq3A_564 = arith.constant 112 : i32
    %eq3A_565 = vector.broadcast %eq3A_564 : i32 to vector<160x128xi32>
    %eq3A_566 = arith.cmpi eq, %iota3A, %eq3A_565 : vector<160x128xi32>
    %slice3A_567 = vector.extract_strided_slice %dot_general3A_5 {offsets = [17920, 0], sizes = [160, 128], strides = [1, 1]} : vector<20480x128xf32> to vector<160x128xf32>
    %select_n3A_568 = arith.select %eq3A_566, %slice3A_567, %select_n3A_563 : vector<160x128xi1>, vector<160x128xf32>
    %eq3A_569 = arith.constant 113 : i32
    %eq3A_570 = vector.broadcast %eq3A_569 : i32 to vector<160x128xi32>
    %eq3A_571 = arith.cmpi eq, %iota3A, %eq3A_570 : vector<160x128xi32>
    %slice3A_572 = vector.extract_strided_slice %dot_general3A_5 {offsets = [18080, 0], sizes = [160, 128], strides = [1, 1]} : vector<20480x128xf32> to vector<160x128xf32>
    %select_n3A_573 = arith.select %eq3A_571, %slice3A_572, %select_n3A_568 : vector<160x128xi1>, vector<160x128xf32>
    %eq3A_574 = arith.constant 114 : i32
    %eq3A_575 = vector.broadcast %eq3A_574 : i32 to vector<160x128xi32>
    %eq3A_576 = arith.cmpi eq, %iota3A, %eq3A_575 : vector<160x128xi32>
    %slice3A_577 = vector.extract_strided_slice %dot_general3A_5 {offsets = [18240, 0], sizes = [160, 128], strides = [1, 1]} : vector<20480x128xf32> to vector<160x128xf32>
    %select_n3A_578 = arith.select %eq3A_576, %slice3A_577, %select_n3A_573 : vector<160x128xi1>, vector<160x128xf32>
    %eq3A_579 = arith.constant 115 : i32
    %eq3A_580 = vector.broadcast %eq3A_579 : i32 to vector<160x128xi32>
    %eq3A_581 = arith.cmpi eq, %iota3A, %eq3A_580 : vector<160x128xi32>
    %slice3A_582 = vector.extract_strided_slice %dot_general3A_5 {offsets = [18400, 0], sizes = [160, 128], strides = [1, 1]} : vector<20480x128xf32> to vector<160x128xf32>
    %select_n3A_583 = arith.select %eq3A_581, %slice3A_582, %select_n3A_578 : vector<160x128xi1>, vector<160x128xf32>
    %eq3A_584 = arith.constant 116 : i32
    %eq3A_585 = vector.broadcast %eq3A_584 : i32 to vector<160x128xi32>
    %eq3A_586 = arith.cmpi eq, %iota3A, %eq3A_585 : vector<160x128xi32>
    %slice3A_587 = vector.extract_strided_slice %dot_general3A_5 {offsets = [18560, 0], sizes = [160, 128], strides = [1, 1]} : vector<20480x128xf32> to vector<160x128xf32>
    %select_n3A_588 = arith.select %eq3A_586, %slice3A_587, %select_n3A_583 : vector<160x128xi1>, vector<160x128xf32>
    %eq3A_589 = arith.constant 117 : i32
    %eq3A_590 = vector.broadcast %eq3A_589 : i32 to vector<160x128xi32>
    %eq3A_591 = arith.cmpi eq, %iota3A, %eq3A_590 : vector<160x128xi32>
    %slice3A_592 = vector.extract_strided_slice %dot_general3A_5 {offsets = [18720, 0], sizes = [160, 128], strides = [1, 1]} : vector<20480x128xf32> to vector<160x128xf32>
    %select_n3A_593 = arith.select %eq3A_591, %slice3A_592, %select_n3A_588 : vector<160x128xi1>, vector<160x128xf32>
    %eq3A_594 = arith.constant 118 : i32
    %eq3A_595 = vector.broadcast %eq3A_594 : i32 to vector<160x128xi32>
    %eq3A_596 = arith.cmpi eq, %iota3A, %eq3A_595 : vector<160x128xi32>
    %slice3A_597 = vector.extract_strided_slice %dot_general3A_5 {offsets = [18880, 0], sizes = [160, 128], strides = [1, 1]} : vector<20480x128xf32> to vector<160x128xf32>
    %select_n3A_598 = arith.select %eq3A_596, %slice3A_597, %select_n3A_593 : vector<160x128xi1>, vector<160x128xf32>
    %eq3A_599 = arith.constant 119 : i32
    %eq3A_600 = vector.broadcast %eq3A_599 : i32 to vector<160x128xi32>
    %eq3A_601 = arith.cmpi eq, %iota3A, %eq3A_600 : vector<160x128xi32>
    %slice3A_602 = vector.extract_strided_slice %dot_general3A_5 {offsets = [19040, 0], sizes = [160, 128], strides = [1, 1]} : vector<20480x128xf32> to vector<160x128xf32>
    %select_n3A_603 = arith.select %eq3A_601, %slice3A_602, %select_n3A_598 : vector<160x128xi1>, vector<160x128xf32>
    %eq3A_604 = arith.constant 120 : i32
    %eq3A_605 = vector.broadcast %eq3A_604 : i32 to vector<160x128xi32>
    %eq3A_606 = arith.cmpi eq, %iota3A, %eq3A_605 : vector<160x128xi32>
    %slice3A_607 = vector.extract_strided_slice %dot_general3A_5 {offsets = [19200, 0], sizes = [160, 128], strides = [1, 1]} : vector<20480x128xf32> to vector<160x128xf32>
    %select_n3A_608 = arith.select %eq3A_606, %slice3A_607, %select_n3A_603 : vector<160x128xi1>, vector<160x128xf32>
    %eq3A_609 = arith.constant 121 : i32
    %eq3A_610 = vector.broadcast %eq3A_609 : i32 to vector<160x128xi32>
    %eq3A_611 = arith.cmpi eq, %iota3A, %eq3A_610 : vector<160x128xi32>
    %slice3A_612 = vector.extract_strided_slice %dot_general3A_5 {offsets = [19360, 0], sizes = [160, 128], strides = [1, 1]} : vector<20480x128xf32> to vector<160x128xf32>
    %select_n3A_613 = arith.select %eq3A_611, %slice3A_612, %select_n3A_608 : vector<160x128xi1>, vector<160x128xf32>
    %eq3A_614 = arith.constant 122 : i32
    %eq3A_615 = vector.broadcast %eq3A_614 : i32 to vector<160x128xi32>
    %eq3A_616 = arith.cmpi eq, %iota3A, %eq3A_615 : vector<160x128xi32>
    %slice3A_617 = vector.extract_strided_slice %dot_general3A_5 {offsets = [19520, 0], sizes = [160, 128], strides = [1, 1]} : vector<20480x128xf32> to vector<160x128xf32>
    %select_n3A_618 = arith.select %eq3A_616, %slice3A_617, %select_n3A_613 : vector<160x128xi1>, vector<160x128xf32>
    %eq3A_619 = arith.constant 123 : i32
    %eq3A_620 = vector.broadcast %eq3A_619 : i32 to vector<160x128xi32>
    %eq3A_621 = arith.cmpi eq, %iota3A, %eq3A_620 : vector<160x128xi32>
    %slice3A_622 = vector.extract_strided_slice %dot_general3A_5 {offsets = [19680, 0], sizes = [160, 128], strides = [1, 1]} : vector<20480x128xf32> to vector<160x128xf32>
    %select_n3A_623 = arith.select %eq3A_621, %slice3A_622, %select_n3A_618 : vector<160x128xi1>, vector<160x128xf32>
    %eq3A_624 = arith.constant 124 : i32
    %eq3A_625 = vector.broadcast %eq3A_624 : i32 to vector<160x128xi32>
    %eq3A_626 = arith.cmpi eq, %iota3A, %eq3A_625 : vector<160x128xi32>
    %slice3A_627 = vector.extract_strided_slice %dot_general3A_5 {offsets = [19840, 0], sizes = [160, 128], strides = [1, 1]} : vector<20480x128xf32> to vector<160x128xf32>
    %select_n3A_628 = arith.select %eq3A_626, %slice3A_627, %select_n3A_623 : vector<160x128xi1>, vector<160x128xf32>
    %eq3A_629 = arith.constant 125 : i32
    %eq3A_630 = vector.broadcast %eq3A_629 : i32 to vector<160x128xi32>
    %eq3A_631 = arith.cmpi eq, %iota3A, %eq3A_630 : vector<160x128xi32>
    %slice3A_632 = vector.extract_strided_slice %dot_general3A_5 {offsets = [20000, 0], sizes = [160, 128], strides = [1, 1]} : vector<20480x128xf32> to vector<160x128xf32>
    %select_n3A_633 = arith.select %eq3A_631, %slice3A_632, %select_n3A_628 : vector<160x128xi1>, vector<160x128xf32>
    %eq3A_634 = arith.constant 126 : i32
    %eq3A_635 = vector.broadcast %eq3A_634 : i32 to vector<160x128xi32>
    %eq3A_636 = arith.cmpi eq, %iota3A, %eq3A_635 : vector<160x128xi32>
    %slice3A_637 = vector.extract_strided_slice %dot_general3A_5 {offsets = [20160, 0], sizes = [160, 128], strides = [1, 1]} : vector<20480x128xf32> to vector<160x128xf32>
    %select_n3A_638 = arith.select %eq3A_636, %slice3A_637, %select_n3A_633 : vector<160x128xi1>, vector<160x128xf32>
    %eq3A_639 = arith.constant 127 : i32
    %eq3A_640 = vector.broadcast %eq3A_639 : i32 to vector<160x128xi32>
    %eq3A_641 = arith.cmpi eq, %iota3A, %eq3A_640 : vector<160x128xi32>
    %slice3A_642 = vector.extract_strided_slice %dot_general3A_5 {offsets = [20320, 0], sizes = [160, 128], strides = [1, 1]} : vector<20480x128xf32> to vector<160x128xf32>
    %select_n3A_643 = arith.select %eq3A_641, %slice3A_642, %select_n3A_638 : vector<160x128xi1>, vector<160x128xf32>
    %get3A_644 = arith.constant 0 : index
    %get3A_645 = arith.constant 0 : index
    %get3A_646 = vector.load %arg3[%get3A_644, %get3A_645] : memref<160x128xi32, #tpu.memory_space<vmem>>, vector<160x128xi32>
    %convert_element_type3A = arith.sitofp %get3A_646 : vector<160x128xi32> to vector<160x128xf32>
    %iota3A_647 = tpu.iota {dimensions = array<i32: 0>} : vector<8x128xi32>
    %broadcast_in_dim3A_648 = arith.constant 0.000000e+00 : f32
    %broadcast_in_dim3A_649 = vector.broadcast %broadcast_in_dim3A_648 : f32 to vector<8x128xf32>
    %reduce_max3A = arith.constant dense<0xFF800000> : vector<128xf32>
    %reduce_max3A_650 = vector.multi_reduction <maximumf>, %select_n3A_643, %reduce_max3A [0] : vector<160x128xf32> to vector<128xf32>
    %broadcast_in_dim3A_651 = vector.shape_cast %reduce_max3A_650 : vector<128xf32> to vector<1x128xf32>
    %eq3A_652 = vector.broadcast %broadcast_in_dim3A_651 : vector<1x128xf32> to vector<160x128xf32>
    %eq3A_653 = arith.cmpf oeq, %select_n3A_643, %eq3A_652 : vector<160x128xf32>
    %jit3A = arith.constant 1.000000e+30 : f32
    %broadcast_in_dim3A_654 = vector.broadcast %jit3A : f32 to vector<160x128xf32>
    %select_n3A_655 = arith.select %eq3A_653, %convert_element_type3A, %broadcast_in_dim3A_654 : vector<160x128xi1>, vector<160x128xf32>
    %reduce_min3A = arith.constant dense<0x7F800000> : vector<128xf32>
    %reduce_min3A_656 = vector.multi_reduction <minimumf>, %select_n3A_655, %reduce_min3A [0] : vector<160x128xf32> to vector<128xf32>
    %broadcast_in_dim3A_657 = vector.shape_cast %reduce_min3A_656 : vector<128xf32> to vector<1x128xf32>
    %eq3A_658 = arith.constant 0 : i32
    %eq3A_659 = vector.broadcast %eq3A_658 : i32 to vector<8x128xi32>
    %eq3A_660 = arith.cmpi eq, %iota3A_647, %eq3A_659 : vector<8x128xi32>
    %broadcast_in_dim3A_661 = vector.shape_cast %broadcast_in_dim3A_657 : vector<1x128xf32> to vector<1x128xf32>
    %broadcast_in_dim3A_662 = vector.broadcast %broadcast_in_dim3A_661 : vector<1x128xf32> to vector<8x128xf32>
    %select_n3A_663 = arith.select %eq3A_660, %broadcast_in_dim3A_662, %broadcast_in_dim3A_649 : vector<8x128xi1>, vector<8x128xf32>
    %eq3A_664 = vector.broadcast %broadcast_in_dim3A_657 : vector<1x128xf32> to vector<160x128xf32>
    %eq3A_665 = arith.cmpf oeq, %convert_element_type3A, %eq3A_664 : vector<160x128xf32>
    %jit3A_666 = arith.constant 0xFF800000 : f32
    %broadcast_in_dim3A_667 = vector.broadcast %jit3A_666 : f32 to vector<160x128xf32>
    %select_n3A_668 = arith.select %eq3A_665, %broadcast_in_dim3A_667, %select_n3A_643 : vector<160x128xi1>, vector<160x128xf32>
    %reduce_max3A_669 = arith.constant dense<0xFF800000> : vector<128xf32>
    %reduce_max3A_670 = vector.multi_reduction <maximumf>, %select_n3A_668, %reduce_max3A_669 [0] : vector<160x128xf32> to vector<128xf32>
    %broadcast_in_dim3A_671 = vector.shape_cast %reduce_max3A_670 : vector<128xf32> to vector<1x128xf32>
    %eq3A_672 = vector.broadcast %broadcast_in_dim3A_671 : vector<1x128xf32> to vector<160x128xf32>
    %eq3A_673 = arith.cmpf oeq, %select_n3A_668, %eq3A_672 : vector<160x128xf32>
    %jit3A_674 = arith.constant 1.000000e+30 : f32
    %broadcast_in_dim3A_675 = vector.broadcast %jit3A_674 : f32 to vector<160x128xf32>
    %select_n3A_676 = arith.select %eq3A_673, %convert_element_type3A, %broadcast_in_dim3A_675 : vector<160x128xi1>, vector<160x128xf32>
    %reduce_min3A_677 = arith.constant dense<0x7F800000> : vector<128xf32>
    %reduce_min3A_678 = vector.multi_reduction <minimumf>, %select_n3A_676, %reduce_min3A_677 [0] : vector<160x128xf32> to vector<128xf32>
    %broadcast_in_dim3A_679 = vector.shape_cast %reduce_min3A_678 : vector<128xf32> to vector<1x128xf32>
    %eq3A_680 = arith.constant 1 : i32
    %eq3A_681 = vector.broadcast %eq3A_680 : i32 to vector<8x128xi32>
    %eq3A_682 = arith.cmpi eq, %iota3A_647, %eq3A_681 : vector<8x128xi32>
    %broadcast_in_dim3A_683 = vector.shape_cast %broadcast_in_dim3A_679 : vector<1x128xf32> to vector<1x128xf32>
    %broadcast_in_dim3A_684 = vector.broadcast %broadcast_in_dim3A_683 : vector<1x128xf32> to vector<8x128xf32>
    %select_n3A_685 = arith.select %eq3A_682, %broadcast_in_dim3A_684, %select_n3A_663 : vector<8x128xi1>, vector<8x128xf32>
    %eq3A_686 = vector.broadcast %broadcast_in_dim3A_679 : vector<1x128xf32> to vector<160x128xf32>
    %eq3A_687 = arith.cmpf oeq, %convert_element_type3A, %eq3A_686 : vector<160x128xf32>
    %jit3A_688 = arith.constant 0xFF800000 : f32
    %broadcast_in_dim3A_689 = vector.broadcast %jit3A_688 : f32 to vector<160x128xf32>
    %select_n3A_690 = arith.select %eq3A_687, %broadcast_in_dim3A_689, %select_n3A_668 : vector<160x128xi1>, vector<160x128xf32>
    %reduce_max3A_691 = arith.constant dense<0xFF800000> : vector<128xf32>
    %reduce_max3A_692 = vector.multi_reduction <maximumf>, %select_n3A_690, %reduce_max3A_691 [0] : vector<160x128xf32> to vector<128xf32>
    %broadcast_in_dim3A_693 = vector.shape_cast %reduce_max3A_692 : vector<128xf32> to vector<1x128xf32>
    %eq3A_694 = vector.broadcast %broadcast_in_dim3A_693 : vector<1x128xf32> to vector<160x128xf32>
    %eq3A_695 = arith.cmpf oeq, %select_n3A_690, %eq3A_694 : vector<160x128xf32>
    %jit3A_696 = arith.constant 1.000000e+30 : f32
    %broadcast_in_dim3A_697 = vector.broadcast %jit3A_696 : f32 to vector<160x128xf32>
    %select_n3A_698 = arith.select %eq3A_695, %convert_element_type3A, %broadcast_in_dim3A_697 : vector<160x128xi1>, vector<160x128xf32>
    %reduce_min3A_699 = arith.constant dense<0x7F800000> : vector<128xf32>
    %reduce_min3A_700 = vector.multi_reduction <minimumf>, %select_n3A_698, %reduce_min3A_699 [0] : vector<160x128xf32> to vector<128xf32>
    %broadcast_in_dim3A_701 = vector.shape_cast %reduce_min3A_700 : vector<128xf32> to vector<1x128xf32>
    %eq3A_702 = arith.constant 2 : i32
    %eq3A_703 = vector.broadcast %eq3A_702 : i32 to vector<8x128xi32>
    %eq3A_704 = arith.cmpi eq, %iota3A_647, %eq3A_703 : vector<8x128xi32>
    %broadcast_in_dim3A_705 = vector.shape_cast %broadcast_in_dim3A_701 : vector<1x128xf32> to vector<1x128xf32>
    %broadcast_in_dim3A_706 = vector.broadcast %broadcast_in_dim3A_705 : vector<1x128xf32> to vector<8x128xf32>
    %select_n3A_707 = arith.select %eq3A_704, %broadcast_in_dim3A_706, %select_n3A_685 : vector<8x128xi1>, vector<8x128xf32>
    %eq3A_708 = vector.broadcast %broadcast_in_dim3A_701 : vector<1x128xf32> to vector<160x128xf32>
    %eq3A_709 = arith.cmpf oeq, %convert_element_type3A, %eq3A_708 : vector<160x128xf32>
    %jit3A_710 = arith.constant 0xFF800000 : f32
    %broadcast_in_dim3A_711 = vector.broadcast %jit3A_710 : f32 to vector<160x128xf32>
    %select_n3A_712 = arith.select %eq3A_709, %broadcast_in_dim3A_711, %select_n3A_690 : vector<160x128xi1>, vector<160x128xf32>
    %reduce_max3A_713 = arith.constant dense<0xFF800000> : vector<128xf32>
    %reduce_max3A_714 = vector.multi_reduction <maximumf>, %select_n3A_712, %reduce_max3A_713 [0] : vector<160x128xf32> to vector<128xf32>
    %broadcast_in_dim3A_715 = vector.shape_cast %reduce_max3A_714 : vector<128xf32> to vector<1x128xf32>
    %eq3A_716 = vector.broadcast %broadcast_in_dim3A_715 : vector<1x128xf32> to vector<160x128xf32>
    %eq3A_717 = arith.cmpf oeq, %select_n3A_712, %eq3A_716 : vector<160x128xf32>
    %jit3A_718 = arith.constant 1.000000e+30 : f32
    %broadcast_in_dim3A_719 = vector.broadcast %jit3A_718 : f32 to vector<160x128xf32>
    %select_n3A_720 = arith.select %eq3A_717, %convert_element_type3A, %broadcast_in_dim3A_719 : vector<160x128xi1>, vector<160x128xf32>
    %reduce_min3A_721 = arith.constant dense<0x7F800000> : vector<128xf32>
    %reduce_min3A_722 = vector.multi_reduction <minimumf>, %select_n3A_720, %reduce_min3A_721 [0] : vector<160x128xf32> to vector<128xf32>
    %broadcast_in_dim3A_723 = vector.shape_cast %reduce_min3A_722 : vector<128xf32> to vector<1x128xf32>
    %eq3A_724 = arith.constant 3 : i32
    %eq3A_725 = vector.broadcast %eq3A_724 : i32 to vector<8x128xi32>
    %eq3A_726 = arith.cmpi eq, %iota3A_647, %eq3A_725 : vector<8x128xi32>
    %broadcast_in_dim3A_727 = vector.shape_cast %broadcast_in_dim3A_723 : vector<1x128xf32> to vector<1x128xf32>
    %broadcast_in_dim3A_728 = vector.broadcast %broadcast_in_dim3A_727 : vector<1x128xf32> to vector<8x128xf32>
    %select_n3A_729 = arith.select %eq3A_726, %broadcast_in_dim3A_728, %select_n3A_707 : vector<8x128xi1>, vector<8x128xf32>
    %eq3A_730 = vector.broadcast %broadcast_in_dim3A_723 : vector<1x128xf32> to vector<160x128xf32>
    %eq3A_731 = arith.cmpf oeq, %convert_element_type3A, %eq3A_730 : vector<160x128xf32>
    %jit3A_732 = arith.constant 0xFF800000 : f32
    %broadcast_in_dim3A_733 = vector.broadcast %jit3A_732 : f32 to vector<160x128xf32>
    %select_n3A_734 = arith.select %eq3A_731, %broadcast_in_dim3A_733, %select_n3A_712 : vector<160x128xi1>, vector<160x128xf32>
    %reduce_max3A_735 = arith.constant dense<0xFF800000> : vector<128xf32>
    %reduce_max3A_736 = vector.multi_reduction <maximumf>, %select_n3A_734, %reduce_max3A_735 [0] : vector<160x128xf32> to vector<128xf32>
    %broadcast_in_dim3A_737 = vector.shape_cast %reduce_max3A_736 : vector<128xf32> to vector<1x128xf32>
    %eq3A_738 = vector.broadcast %broadcast_in_dim3A_737 : vector<1x128xf32> to vector<160x128xf32>
    %eq3A_739 = arith.cmpf oeq, %select_n3A_734, %eq3A_738 : vector<160x128xf32>
    %jit3A_740 = arith.constant 1.000000e+30 : f32
    %broadcast_in_dim3A_741 = vector.broadcast %jit3A_740 : f32 to vector<160x128xf32>
    %select_n3A_742 = arith.select %eq3A_739, %convert_element_type3A, %broadcast_in_dim3A_741 : vector<160x128xi1>, vector<160x128xf32>
    %reduce_min3A_743 = arith.constant dense<0x7F800000> : vector<128xf32>
    %reduce_min3A_744 = vector.multi_reduction <minimumf>, %select_n3A_742, %reduce_min3A_743 [0] : vector<160x128xf32> to vector<128xf32>
    %broadcast_in_dim3A_745 = vector.shape_cast %reduce_min3A_744 : vector<128xf32> to vector<1x128xf32>
    %eq3A_746 = arith.constant 4 : i32
    %eq3A_747 = vector.broadcast %eq3A_746 : i32 to vector<8x128xi32>
    %eq3A_748 = arith.cmpi eq, %iota3A_647, %eq3A_747 : vector<8x128xi32>
    %broadcast_in_dim3A_749 = vector.shape_cast %broadcast_in_dim3A_745 : vector<1x128xf32> to vector<1x128xf32>
    %broadcast_in_dim3A_750 = vector.broadcast %broadcast_in_dim3A_749 : vector<1x128xf32> to vector<8x128xf32>
    %select_n3A_751 = arith.select %eq3A_748, %broadcast_in_dim3A_750, %select_n3A_729 : vector<8x128xi1>, vector<8x128xf32>
    %convert_element_type3A_752 = arith.fptosi %select_n3A_751 : vector<8x128xf32> to vector<8x128xi32>
    %swap3A = arith.constant 0 : index
    %swap3A_753 = arith.constant 0 : index
    %swap3A_754 = vector.load %arg4[%swap3A, %swap3A_753] : memref<8x128xi32, #tpu.memory_space<vmem>>, vector<8x128xi32>
    tpu.vector_store %arg4[%swap3A, %swap3A_753], %convert_element_type3A_752 {strides = array<i32>} : memref<8x128xi32, #tpu.memory_space<vmem>>, vector<8x128xi32>,
    return
  }
  func.func @transform_0(%arg0: i32) -> (i32, i32) {
    %c0_i32 = arith.constant 0 : i32
    %c0_i32_0 = arith.constant 0 : i32
    return %arg0, %c0_i32 : i32, i32
  }
  func.func @transform_1(%arg0: i32) -> (i32, i32) {
    %c0_i32 = arith.constant 0 : i32
    %c0_i32_0 = arith.constant 0 : i32
    return %c0_i32, %arg0 : i32, i32
  }
  func.func @transform_2(%arg0: i32) -> (i32, i32) {
    %c0_i32 = arith.constant 0 : i32
    %c0_i32_0 = arith.constant 0 : i32
    return %c0_i32, %arg0 : i32, i32
  }
  func.func @transform_3(%arg0: i32) -> (i32, i32) {
    %c0_i32 = arith.constant 0 : i32
    %c0_i32_0 = arith.constant 0 : i32
    return %c0_i32, %arg0 : i32, i32
  }
}

</mosaic_0001>

<sc_bundles>
// kernel: kernel.10.cloned.1.call-start
scs
__scs_entry_jumppad:
0x0: {  	(pc) =	sbr.rel $0x88, $3  }
0x1: {  	(tag) =	ssettag $0x0;
	lr =	simm.s32 $0x1  }
0x2: {  	[smem:$0x3F9F] =	sst lr;
	_ =	strace $0xD0000000  }
0x3: {  	_ = 	snop  }
0x4: {  	_ = 	snop  }
0x5: {  	_ = 	snop  }
0x6: {  	_ = 	snop  }
0x7: {  	_ = 	snop  }
__scs_overlays_trampoline_lowered:
0x8: {  	[smem:$0x3FAE] =	sst s0  }
0x9: {  	[smem:$0x3FAF] =	sst s1  }
0xa: {  	[smem:$0x3FB0] =	sst s2  }
0xb: {  	[smem:$0x3FB1] =	sst s3  }
0xc: {  	[smem:$0x3FB2] =	sst s4  }
0xd: {  	[smem:$0x3FB3] =	sst s5  }
0xe: {  	[smem:$0x3FB4] =	sst s6  }
0xf: {  	[smem:$0x3FB5] =	sst s7  }
0x10: {  	[smem:$0x3FB6] =	sst s8  }
0x11: {  	[smem:$0x3FB7] =	sst s9;
	s0 =	simm.s32 @!p0 $0x0  }
0x12: {  	s1 =	sld [smem:$0x3F9D];
	s0 =	simm.s32 @p0 $0x1  }
0x13: {  	[smem:$0x3FB8] =	sst s0;
	s0 =	simm.s32 @!p1 $0x0  }
0x14: {  	s2 =	sld [smem:$0x3F9C];
	s0 =	simm.s32 @p1 $0x1  }
0x15: {  	[smem:$0x3FB9] =	sst s0;
	s0 =	simm.s32 @!p2 $0x0  }
0x16: {  	s3 =	sld [smem:$0x3FDB];
	s0 =	simm.s32 @p2 $0x1  }
0x17: {  	s4 =	simm.s32 $0x1BF5;
	[smem:$0x3FBB] =	sst s0  }
0x18: {  	s0 =	sld [smem:$0x3F9E];
	_ =	swait.ge [sflag:s4], $0x0  }
0x19: {  	s7 =	sld [smem:$0x3F9F]  }
0x1a: {  	s8 =	sadd.s32 $0xFFFFE003, lr  }
0x1b: {  	s9 =	sadd.s32 $0xFFFFFEF7, lr;
	s5 =	simm.s32 $0xFFFFFFFF;
	p2 =	slt.u32 s8, $0xFFFFF086  }
0x1c: {  	p1 =	slt.u32 s9, $0xF7A;
	s5 =	simm.s32 @!p2 $0x0  }
0x1d: {  	s5 =	simm.s32 @p1 $0x1;
	p0 =	seq.s32 s7, s2  }
0x1e: {  	s7 =	smul.u32 @!p0 $0xF7A, s2;
	p2 =	seq.s32 @!p0 s5, $0x0  }
0x1f: {  	s9 =	smul.u32 $0xF7A, s1;
	s8 =	simm.s32 @!p0 $0x1BF5;
	p2 =	por !p2, p0  }
0x20: {  	[sflag:s8] =	ssyncset.s32 @!p0 $0xFFFFF086;
	s6 =	sadd.s32 @!p0 s3, s7;
	s7 =	simm.s32 @!p0 $0x108  }
0x21: {  	s3 =	sadd.s32 s3, s9;
	s6 =	sadd.s32 @!p0 $0x88, s6;
	s7 =	simm.s32 @p2 $0x1082  }
0x22: {  	[simem:s7], [sflag:s8] =	dma.local @!p0 [hbm:s6], $0xF7A  }
0x23: {  	s9 =	sor.u32 $0xD0000000, s2;
	s6 =	simm.s32 $0x108;
	_ =	swait.ge @!p0 [sflag:s8], $0x0  }
0x24: {  	s3 =	sadd.s32 $0x88, s3;
	s6 =	simm.s32 @!p1 $0x1082;
	[sflag:s4] =	ssyncset.s32 $0xFFFFF086  }
0x25: {  	[simem:s6], [sflag:s4] =	dma.local [hbm:s3], $0xF7A  }
0x26: {  	[smem:$0x3F9F] =	sst s1;
	(tag) =	ssettag s2;
	_ =	strace s9  }
0x27: {  	s1 =	sld [smem:$0x3FAF]  }
0x28: {  	s2 =	sld [smem:$0x3FB0]  }
0x29: {  	s4 =	sld [smem:$0x3FB2]  }
0x2a: {  	p0 =	seq.s32 s5, $0x0;
	s5 =	sld [smem:$0x3FB3]  }
0x2b: {  	s6 =	sld [smem:$0x3FB4]  }
0x2c: {  	s7 =	sld [smem:$0x3FB5]  }
0x2d: {  	s3 =	simm.s32 $0x108;
	s8 =	sld [smem:$0x3FB6]  }
0x2e: {  	s3 =	simm.s32 @!p0 $0x1082;
	s9 =	sld [smem:$0x3FB7]  }
0x2f: {  	lr =	sadd.s32 s0, s3;
	s0 =	sld [smem:$0x3FAE]  }
0x30: {  	s3 =	sld [smem:$0x3FB1]  }
0x31: {  	[smem:$0x3FBA] =	sst s10  }
0x32: {  	s10 =	sld [smem:$0x3FB8];
	_ =	sdelay $0x3  }
0x33: {  	p0 =	seq.s32 s10, $0x1;
	s10 =	sld [smem:$0x3FBA];
	_ =	sdelay $0x3  }
0x34: {  	[smem:$0x3FBA] =	sst s10  }
0x35: {  	s10 =	sld [smem:$0x3FB9];
	_ =	sdelay $0x3  }
0x36: {  	p1 =	seq.s32 s10, $0x1;
	s10 =	sld [smem:$0x3FBA];
	_ =	sdelay $0x3  }
0x37: {  	[smem:$0x3FBA] =	sst s10  }
0x38: {  	s10 =	sld [smem:$0x3FBB]  }
0x39: {  	_ = 	snop;
	(pc) =	sbr.ind lr, $3  }
0x3a: {  	_ = 	snop  }
0x3b: {  	_ = 	snop  }
0x3c: {  	p2 =	seq.s32 s10, $0x1;
	s10 =	sld [smem:$0x3FBA]  }
0x3d: {  	_ =	shalt  }
0x3e: {  	_ =	shalt  }
0x3f: {  	_ =	shalt  }
0x40: {  	_ =	shalt  }
0x41: {  	_ =	shalt  }
0x42: {  	_ =	shalt  }
0x43: {  	_ =	shalt  }
0x44: {  	_ =	shalt  }
0x45: {  	_ =	shalt  }
0x46: {  	_ =	shalt  }
0x47: {  	_ =	shalt  }
0x48: {  	_ =	shalt  }
0x49: {  	_ =	shalt  }
0x4a: {  	_ =	shalt  }
0x4b: {  	_ =	shalt  }
0x4c: {  	_ =	shalt  }
0x4d: {  	_ =	shalt  }
0x4e: {  	_ =	shalt  }
0x4f: {  	_ =	shalt  }
0x50: {  	_ =	shalt  }
0x51: {  	_ =	shalt  }
0x52: {  	_ =	shalt  }
0x53: {  	_ =	shalt  }
0x54: {  	_ =	shalt  }
0x55: {  	_ =	shalt  }
0x56: {  	_ =	shalt  }
0x57: {  	_ =	shalt  }
0x58: {  	_ =	shalt  }
0x59: {  	_ =	shalt  }
0x5a: {  	_ =	shalt  }
0x5b: {  	_ =	shalt  }
0x5c: {  	_ =	shalt  }
0x5d: {  	_ =	shalt  }
0x5e: {  	_ =	shalt  }
0x5f: {  	_ =	shalt  }
0x60: {  	_ =	shalt  }
0x61: {  	_ =	shalt  }
0x62: {  	_ =	shalt  }
0x63: {  	_ =	shalt  }
0x64: {  	_ =	shalt  }
0x65: {  	_ =	shalt  }
0x66: {  	_ =	shalt  }
0x67: {  	_ =	shalt  }
0x68: {  	_ =	shalt  }
0x69: {  	_ =	shalt  }
0x6a: {  	_ =	shalt  }
0x6b: {  	_ =	shalt  }
0x6c: {  	_ =	shalt  }
0x6d: {  	_ =	shalt  }
0x6e: {  	_ =	shalt  }
0x6f: {  	_ =	shalt  }
0x70: {  	_ =	shalt  }
0x71: {  	_ =	shalt  }
0x72: {  	_ =	shalt  }
0x73: {  	_ =	shalt  }
0x74: {  	_ =	shalt  }
0x75: {  	_ =	shalt  }
0x76: {  	_ =	shalt  }
0x77: {  	_ =	shalt  }
0x78: {  	_ =	shalt  }
0x79: {  	_ =	shalt  }
0x7a: {  	_ =	shalt  }
0x7b: {  	_ =	shalt  }
0x7c: {  	_ =	shalt  }
0x7d: {  	_ =	shalt  }
0x7e: {  	_ =	shalt  }
0x7f: {  	_ =	shalt  }
0x80: {  	_ =	shalt  }
0x81: {  	_ =	shalt  }
0x82: {  	_ =	shalt  }
0x83: {  	_ =	shalt  }
0x84: {  	_ =	shalt  }
0x85: {  	_ =	shalt  }
0x86: {  	_ =	shalt  }
0x87: {  	_ =	shalt  }
.Lfunc_end0:
.L_simem_size_0:
called_computation.1_lowered:
.L_overlay_start_0:
0x88: {  	s2 =	sld [smem:$0x3FD9]  }
0x89: {  	s3 =	sld [smem:$0x3FFE];
	_ =	sdelay $0x1  }
0x8a: {  	s1 =	srdreg.scid  }
0x8b: {  	s0 =	sand.u32 $0x1, s1  }
0x8c: {  	s17 =	sshll.u32 s0, $0xA;
	s2 =	sadd.s32 s3, s2  }
0x8d: {  	s2 =	sadd.s32 s2, s17  }
0x8e: {  	[smem:$0x3FC6] =	sst s2  }
0x8f: {  	_ = 	snop  }
0x90: {  	s2 =	sld [smem:$0x3FD0];
	(tm) =	ssettm $0x1  }
0x91: {  	s18 =	sld [smem:$0x3FFB];
	_ =	sdelay $0x3  }
0x92: {  	_ =	strace s18  }
0x93: {  	s3 =	sld [smem:$0x3FFC];
	_ =	sdelay $0x3  }
0x94: {  	_ =	strace s3  }
0x95: {  	s3 =	sld [smem:$0x3FFD];
	_ =	sdelay $0x3  }
0x96: {  	_ =	strace s3  }
0x97: {  	_ =	strace $0x8FFFFFFF  }
0x98: {  	s19 =	sld [smem:$0x3FDB];
	_ =	sdelay $0x1  }
0x99: {  	s4 =	simm.s32 $_scs_section_size  }
0x9a: {  	s5 =	simm.s32 $_size__tile_overlayer_lowered;
	s6 =	simm.s32 $_tile_overlayer_lowered  }
0x9b: {  	s22 =	simm.s32 $0x1BFF;
	s21 =	sshll.u32 s6, $0x1;
	s3 =	sadd.s32 s4, s19  }
0x9c: {  	s7 =	simm.s32 $0x0;
	s20 =	sshll.u32 s5, $0x1;
	s5 =	sadd.s32 s21, s3  }
0x9d: {  	[timem:s7], [sflag:s22] =	dma.local [hbm:s5], s20  }
0x9e: {  	_ =	swait.ge [sflag:s22], s20  }
0x9f: {  	s4 =	ssub.s32 $0x0, s20;
	[sflag:s22] =	ssyncset.done $0x0  }
0xa0: {  	[sflag:s22] =	ssyncadd.s32 s4;
	_ =	sdelay $0x1  }
0xa1: {  	s23 =	simm.s32 $0x1B8B  }
0xa2: {  	_ =	swait.ge [sflag:s23], $0x1  }
0xa3: {  	[sflag:s23] =	ssyncset.done $0x0  }
0xa4: {  	s25 =	simm.s32 $0x1B8E;
	s24 =	sld [smem:$0x3FFE];
	[sflag:s23] =	ssyncadd.s32 $0xFFFFFFFF  }
0xa5: {  	s26 =	simm.s32 $execute0_lowered;
	[smem:$0x3FD2] =	sst s25  }
0xa6: {  	s5 =	sshll.u32 s26, $0x1;
	_ =	strace $0x80000049;
	[dreg:$0x1] =	wrdreg $0xFFFFFFFF  }
0xa7: {  	s28 =	simm.s32 $_size_execute0_lowered;
	s3 =	sadd.s32 s3, s5;
	[dreg:$0x0] =	wrdreg $0x0  }
0xa8: {  	s5 =	sshll.u32 s28, $0x1;
	[dreg:$0x2] =	wrdreg s3  }
0xa9: {  	[dreg:$0x3] =	wrdreg s5  }
0xaa: {  	[dreg:$0x4] =	wrdreg $0xC0  }
0xab: {  	_ =	task [dreg:s7], $0x5FFFF  }
0xac: {  	[dreg:$0x1] =	wrdreg $0xFFFFFFFF  }
0xad: {  	[dreg:$0x0] =	wrdreg $0x60  }
0xae: {  	[dreg:$0x2] =	wrdreg s24  }
0xaf: {  	[dreg:$0x3] =	wrdreg s2  }
0xb0: {  	[dreg:$0x4] =	wrdreg $0x9  }
0xb1: {  	_ =	task.clear_ibuf [dreg:s7], $0x5FFFF;
	_ =	strace $0x90000049  }
0xb2: {  	s29 =	simm.s32 $0x9;
	_ =	strace $0x8000004B  }
0xb3: {  	_ =	swait.ge [sflag:s29], $0x1  }
0xb4: {  	[sflag:s29] =	ssyncadd.s32 $0xFFFFFFFF  }
0xb5: {  	_ =	strace $0x9000004B  }
0xb6: {  	_ =	sfence  }
0xb7: {  	s30 =	sld [smem:$0x0];
	_ =	sdelay $0x2  }
0xb8: {  	s31 =	sshll.u32 s1, $0xD;
	s1 =	sshrl.u32 s1, $0x2  }
0xb9: {  	s3 =	sand.u32 $0x4000, s31;
	s1 =	sadd.s32 s1, s30  }
0xba: {  	s0 =	sor.u32 s3, s0;
	s1 =	sshll.u32 s1, $0x11  }
0xbb: {  	s0 =	sor.u32 s1, s0  }
0xbc: {  	s0 =	sadd.s32 $0x8F2B, s0  }
0xbd: {  	[sflag:s0] =	ssyncadd.remote.s32 $0x1  }
0xbe: {  	_ =	sfence.sel $0xFFFF  }
0xbf: {  	[dreg:$0x0] =	wrdreg $0xFFFFFFFF;
	(pc) =	sbr.abs _section_cstart, $3  }
0xc0: {  	[dreg:$0x1] =	wrdreg $0xFFFFFFFF  }
0xc1: {  	_ =	task.clear_ibuf [dreg:s7], $0x2FFFF;
	_ =	strace $0x9FFFFFFF  }
0xc2: {  	(tm) =	ssettm $0x7FFFFFFF  }
0xc3: {  	_ =	shalt  }
tec
execute0_lowered:
.L_overlay_start_1:
0x0: {  	(tag) =	ssettag $0x1  }
0x1: {  	s1 =	srdreg.scid;
	s0 =	stileid.u32  }
0x2: {  	s6 =	sand.u32 $0x1, s1;
	s30 =	sshll.u32 s0, $0x1  }
0x3: {  	s5 =	rddreg [dreg:$0x0];
	s8 =	sor.u32 s6, s30  }
0x4: {  	s9 =	rddreg [dreg:$0x1];
	s2 =	simm.s32 $0x0;
	s3 =	smul.u32 $0x14, s8  }
0x5: {  	[smem:$0x7FF] =	sst s2  }
0x6: {  	s1 =	rddreg [dreg:$0x2];
	_ =	strace $0x8000004A;
	s3 =	sadd.s32 s3, s5  }
0x7: {  	s10 =	ssub.s32 $0x2, s6;
	s4 =	sadd.s32 $0x200, s3;
	s3 =	simm.s32 $0x2  }
0x8: {  	[tilespmem:s2], [sflag:$0x2] =	stream.linear.gather [hbm4b:s4+s2], $0xA0, $0x38;
	[tilespmem:$0x28A0] =	vst v63  }
0x9: {  	s7 =	simm.s32 $0x1;
	s11 =	sshrl.u32 s10, $0x1;
	_ =	swait.ge [sflag:s3], $0xA0  }
0xa: {  	s6 =	simm.s32 $0xA0;
	s10 =	ssub.s32 s10, s11;
	[sflag:s3] =	ssyncset.done $0x0  }
0xb: {  	s5 =	sadd.s32 $0x3D0C00, s5;
	s31 =	smax.u32 s10, $0x1;
	[sflag:s3] =	ssyncadd.s32 $0xFFFFFF60  }
0xc: {  	[tilespmem:s6], [sflag:$0x1] =	stream.indirect.gather [hbm4b:s5+s6], $0x40, s2, s6, $0xb8;
	[tilespmem:$0x28A0] =	vst v63  }
0xd: {  	s8 =	smul.u32 $0x500, s8;
	p0 =	sne.s32 s31, $0x1;
	_ =	swait.ge [sflag:s7], $0x2800  }
.Ltmp0:
0xe: {  	[sflag:s7] =	ssyncset.done $0x0;
	(pc) =	sbr.rel @!p0 .LBB2_2-.Ltmp0, $4  }
0xf: {  	s8 =	sadd.s32 s9, s8;
	[sflag:s7] =	ssyncadd.s32 $0xFFFFD800  }
0x10: {  	[hbm4b:s8+s2] =	stream.linear.scatter [tilespmem:s6], [sflag:$0x2], $0x2800, $0x38;
	[tilespmem:$0x28A0] =	vst v63  }
0x11: {  	_ =	swait.ge [sflag:s3], $0x2800  }
0x12: {  	s9 =	sadd.s32 $0xFFFFFFFF, s31;
	[sflag:s3] =	ssyncset.done $0x0  }
.LBB2_1:
0x13: {  	p0 =	sne.s32 s9, $0x1;
	s9 =	sadd.s32 $0xFFFFFFFF, s9;
	[sflag:s3] =	ssyncadd.s32 $0xFFFFD800  }
0x14: {  	[tilespmem:s2], [sflag:$0x2] =	stream.linear.gather [hbm4b:s4+s2], $0xA0, $0x38;
	[tilespmem:$0x28A0] =	vst v63  }
0x15: {  	_ =	swait.ge [sflag:s3], $0xA0  }
0x16: {  	[sflag:s3] =	ssyncset.done $0x0  }
0x17: {  	[sflag:s3] =	ssyncadd.s32 $0xFFFFFF60  }
0x18: {  	[tilespmem:s6], [sflag:$0x1] =	stream.indirect.gather [hbm4b:s5+s6], $0x40, s2, s6, $0xb8;
	[tilespmem:$0x28A0] =	vst v63  }
0x19: {  	_ =	swait.ge [sflag:s7], $0x2800  }
.Ltmp1:
0x1a: {  	[sflag:s7] =	ssyncset.done $0x0;
	(pc) =	sbr.rel @p0 .LBB2_1-.Ltmp1, $4  }
0x1b: {  	[sflag:s7] =	ssyncadd.s32 $0xFFFFD800  }
0x1c: {  	[hbm4b:s8+s2] =	stream.linear.scatter [tilespmem:s6], [sflag:$0x2], $0x2800, $0x38;
	[tilespmem:$0x28A0] =	vst v63  }
0x1d: {  	_ =	swait.ge [sflag:s3], $0x2800  }
0x1e: {  	[sflag:s3] =	ssyncset.done $0x0  }
.LBB2_2:
0x1f: {  	[sflag:s3] =	ssyncadd.s32 $0xFFFFD800  }
0x20: {  	_ =	sfence.sel $0x180000  }
0x21: {  	[bflag:$0x0] =	sbarrier.arrive $0xFFFF  }
0x22: {  	p0 =	sne.s32 s0, $0x0;
	_ =	strace $0x9000004A  }
0x23: {  	s0 =	sadd.s32 @!p0 $0x100000, s1;
	[bflag:$0x2] =	sbarrier.arrive $0xFFFF  }
0x24: {  	[sflag:s0] =	ssyncadd.tile.s32 @!p0 $0x1;
	_ =	shalt  }
.Lfunc_end2:
_tile_overlayer_lowered:
.L_overlay_start_2:
0x25: {  	(tag) =	ssettag $0x2  }
0x26: {  	s0 =	rddreg [dreg:$0x0];
	s2 =	stileid.u32  }
0x27: {  	s1 =	rddreg [dreg:$0x1];
	p0 =	sne.s32 s2, $0x0  }
0x28: {  	s3 =	rddreg [dreg:$0x2];
	[bflag:$0x3] =	sbarrier.arrive $0xFFFF;
	s2 =	simm.s32 @!p0 $0x1C02  }
0x29: {  	[timem:s3], [sflag:s2] =	dma.local @!p0 [hbm:s0], s1  }
0x2a: {  	s0 =	simm.s32 @!p0 $0x2  }
0x2b: {  	_ =	swait.ge @!p0 [sflag:s0], s1  }
0x2c: {  	s1 =	ssub.s32 @!p0 $0x0, s1;
	[sflag:s0] =	ssyncset.done @!p0 $0x0  }
0x2d: {  	[sflag:s0] =	ssyncadd.s32 @!p0 s1  }
0x2e: {  	[bflag:$0x3] =	sbarrier.arrive $0xFFFF  }
0x2f: {  	_ =	shalt  }

// kernel: kernel.7.cloned.1.call-start
scs
__scs_entry_jumppad:
0x0: {  	(pc) =	sbr.rel $0x88, $3  }
0x1: {  	(tag) =	ssettag $0x0;
	lr =	simm.s32 $0x1  }
0x2: {  	[smem:$0x3F9F] =	sst lr;
	_ =	strace $0xD0000000  }
0x3: {  	_ = 	snop  }
0x4: {  	_ = 	snop  }
0x5: {  	_ = 	snop  }
0x6: {  	_ = 	snop  }
0x7: {  	_ = 	snop  }
__scs_overlays_trampoline_lowered:
0x8: {  	[smem:$0x3FAE] =	sst s0  }
0x9: {  	[smem:$0x3FAF] =	sst s1  }
0xa: {  	[smem:$0x3FB0] =	sst s2  }
0xb: {  	[smem:$0x3FB1] =	sst s3  }
0xc: {  	[smem:$0x3FB2] =	sst s4  }
0xd: {  	[smem:$0x3FB3] =	sst s5  }
0xe: {  	[smem:$0x3FB4] =	sst s6  }
0xf: {  	[smem:$0x3FB5] =	sst s7  }
0x10: {  	[smem:$0x3FB6] =	sst s8  }
0x11: {  	[smem:$0x3FB7] =	sst s9;
	s0 =	simm.s32 @!p0 $0x0  }
0x12: {  	s1 =	sld [smem:$0x3F9D];
	s0 =	simm.s32 @p0 $0x1  }
0x13: {  	[smem:$0x3FB8] =	sst s0;
	s0 =	simm.s32 @!p1 $0x0  }
0x14: {  	s2 =	sld [smem:$0x3F9C];
	s0 =	simm.s32 @p1 $0x1  }
0x15: {  	[smem:$0x3FB9] =	sst s0;
	s0 =	simm.s32 @!p2 $0x0  }
0x16: {  	s3 =	sld [smem:$0x3FDB];
	s0 =	simm.s32 @p2 $0x1  }
0x17: {  	s4 =	simm.s32 $0x1BF5;
	[smem:$0x3FBB] =	sst s0  }
0x18: {  	s0 =	sld [smem:$0x3F9E];
	_ =	swait.ge [sflag:s4], $0x0  }
0x19: {  	s7 =	sld [smem:$0x3F9F]  }
0x1a: {  	s8 =	sadd.s32 $0xFFFFE003, lr  }
0x1b: {  	s9 =	sadd.s32 $0xFFFFFEF7, lr;
	s5 =	simm.s32 $0xFFFFFFFF;
	p2 =	slt.u32 s8, $0xFFFFF086  }
0x1c: {  	p1 =	slt.u32 s9, $0xF7A;
	s5 =	simm.s32 @!p2 $0x0  }
0x1d: {  	s5 =	simm.s32 @p1 $0x1;
	p0 =	seq.s32 s7, s2  }
0x1e: {  	s7 =	smul.u32 @!p0 $0xF7A, s2;
	p2 =	seq.s32 @!p0 s5, $0x0  }
0x1f: {  	s9 =	smul.u32 $0xF7A, s1;
	s8 =	simm.s32 @!p0 $0x1BF5;
	p2 =	por !p2, p0  }
0x20: {  	[sflag:s8] =	ssyncset.s32 @!p0 $0xFFFFF086;
	s6 =	sadd.s32 @!p0 s3, s7;
	s7 =	simm.s32 @!p0 $0x108  }
0x21: {  	s3 =	sadd.s32 s3, s9;
	s6 =	sadd.s32 @!p0 $0x88, s6;
	s7 =	simm.s32 @p2 $0x1082  }
0x22: {  	[simem:s7], [sflag:s8] =	dma.local @!p0 [hbm:s6], $0xF7A  }
0x23: {  	s9 =	sor.u32 $0xD0000000, s2;
	s6 =	simm.s32 $0x108;
	_ =	swait.ge @!p0 [sflag:s8], $0x0  }
0x24: {  	s3 =	sadd.s32 $0x88, s3;
	s6 =	simm.s32 @!p1 $0x1082;
	[sflag:s4] =	ssyncset.s32 $0xFFFFF086  }
0x25: {  	[simem:s6], [sflag:s4] =	dma.local [hbm:s3], $0xF7A  }
0x26: {  	[smem:$0x3F9F] =	sst s1;
	(tag) =	ssettag s2;
	_ =	strace s9  }
0x27: {  	s1 =	sld [smem:$0x3FAF]  }
0x28: {  	s2 =	sld [smem:$0x3FB0]  }
0x29: {  	s4 =	sld [smem:$0x3FB2]  }
0x2a: {  	p0 =	seq.s32 s5, $0x0;
	s5 =	sld [smem:$0x3FB3]  }
0x2b: {  	s6 =	sld [smem:$0x3FB4]  }
0x2c: {  	s7 =	sld [smem:$0x3FB5]  }
0x2d: {  	s3 =	simm.s32 $0x108;
	s8 =	sld [smem:$0x3FB6]  }
0x2e: {  	s3 =	simm.s32 @!p0 $0x1082;
	s9 =	sld [smem:$0x3FB7]  }
0x2f: {  	lr =	sadd.s32 s0, s3;
	s0 =	sld [smem:$0x3FAE]  }
0x30: {  	s3 =	sld [smem:$0x3FB1]  }
0x31: {  	[smem:$0x3FBA] =	sst s10  }
0x32: {  	s10 =	sld [smem:$0x3FB8];
	_ =	sdelay $0x3  }
0x33: {  	p0 =	seq.s32 s10, $0x1;
	s10 =	sld [smem:$0x3FBA];
	_ =	sdelay $0x3  }
0x34: {  	[smem:$0x3FBA] =	sst s10  }
0x35: {  	s10 =	sld [smem:$0x3FB9];
	_ =	sdelay $0x3  }
0x36: {  	p1 =	seq.s32 s10, $0x1;
	s10 =	sld [smem:$0x3FBA];
	_ =	sdelay $0x3  }
0x37: {  	[smem:$0x3FBA] =	sst s10  }
0x38: {  	s10 =	sld [smem:$0x3FBB]  }
0x39: {  	_ = 	snop;
	(pc) =	sbr.ind lr, $3  }
0x3a: {  	_ = 	snop  }
0x3b: {  	_ = 	snop  }
0x3c: {  	p2 =	seq.s32 s10, $0x1;
	s10 =	sld [smem:$0x3FBA]  }
0x3d: {  	_ =	shalt  }
0x3e: {  	_ =	shalt  }
0x3f: {  	_ =	shalt  }
0x40: {  	_ =	shalt  }
0x41: {  	_ =	shalt  }
0x42: {  	_ =	shalt  }
0x43: {  	_ =	shalt  }
0x44: {  	_ =	shalt  }
0x45: {  	_ =	shalt  }
0x46: {  	_ =	shalt  }
0x47: {  	_ =	shalt  }
0x48: {  	_ =	shalt  }
0x49: {  	_ =	shalt  }
0x4a: {  	_ =	shalt  }
0x4b: {  	_ =	shalt  }
0x4c: {  	_ =	shalt  }
0x4d: {  	_ =	shalt  }
0x4e: {  	_ =	shalt  }
0x4f: {  	_ =	shalt  }
0x50: {  	_ =	shalt  }
0x51: {  	_ =	shalt  }
0x52: {  	_ =	shalt  }
0x53: {  	_ =	shalt  }
0x54: {  	_ =	shalt  }
0x55: {  	_ =	shalt  }
0x56: {  	_ =	shalt  }
0x57: {  	_ =	shalt  }
0x58: {  	_ =	shalt  }
0x59: {  	_ =	shalt  }
0x5a: {  	_ =	shalt  }
0x5b: {  	_ =	shalt  }
0x5c: {  	_ =	shalt  }
0x5d: {  	_ =	shalt  }
0x5e: {  	_ =	shalt  }
0x5f: {  	_ =	shalt  }
0x60: {  	_ =	shalt  }
0x61: {  	_ =	shalt  }
0x62: {  	_ =	shalt  }
0x63: {  	_ =	shalt  }
0x64: {  	_ =	shalt  }
0x65: {  	_ =	shalt  }
0x66: {  	_ =	shalt  }
0x67: {  	_ =	shalt  }
0x68: {  	_ =	shalt  }
0x69: {  	_ =	shalt  }
0x6a: {  	_ =	shalt  }
0x6b: {  	_ =	shalt  }
0x6c: {  	_ =	shalt  }
0x6d: {  	_ =	shalt  }
0x6e: {  	_ =	shalt  }
0x6f: {  	_ =	shalt  }
0x70: {  	_ =	shalt  }
0x71: {  	_ =	shalt  }
0x72: {  	_ =	shalt  }
0x73: {  	_ =	shalt  }
0x74: {  	_ =	shalt  }
0x75: {  	_ =	shalt  }
0x76: {  	_ =	shalt  }
0x77: {  	_ =	shalt  }
0x78: {  	_ =	shalt  }
0x79: {  	_ =	shalt  }
0x7a: {  	_ =	shalt  }
0x7b: {  	_ =	shalt  }
0x7c: {  	_ =	shalt  }
0x7d: {  	_ =	shalt  }
0x7e: {  	_ =	shalt  }
0x7f: {  	_ =	shalt  }
0x80: {  	_ =	shalt  }
0x81: {  	_ =	shalt  }
0x82: {  	_ =	shalt  }
0x83: {  	_ =	shalt  }
0x84: {  	_ =	shalt  }
0x85: {  	_ =	shalt  }
0x86: {  	_ =	shalt  }
0x87: {  	_ =	shalt  }
.Lfunc_end0:
.L_simem_size_0:
called_computation_lowered:
.L_overlay_start_0:
0x88: {  	s2 =	sld [smem:$0x3FD9]  }
0x89: {  	s3 =	sld [smem:$0x3FFE];
	_ =	sdelay $0x1  }
0x8a: {  	s1 =	srdreg.scid  }
0x8b: {  	s0 =	sand.u32 $0x1, s1  }
0x8c: {  	s17 =	sshll.u32 s0, $0xA;
	s2 =	sadd.s32 s3, s2  }
0x8d: {  	s2 =	sadd.s32 s2, s17  }
0x8e: {  	[smem:$0x3FC6] =	sst s2  }
0x8f: {  	_ = 	snop  }
0x90: {  	s2 =	sld [smem:$0x3FD0];
	(tm) =	ssettm $0x1  }
0x91: {  	s18 =	sld [smem:$0x3FFB];
	_ =	sdelay $0x3  }
0x92: {  	_ =	strace s18  }
0x93: {  	s3 =	sld [smem:$0x3FFC];
	_ =	sdelay $0x3  }
0x94: {  	_ =	strace s3  }
0x95: {  	s3 =	sld [smem:$0x3FFD];
	_ =	sdelay $0x3  }
0x96: {  	_ =	strace s3  }
0x97: {  	_ =	strace $0x8FFFFFFF  }
0x98: {  	s19 =	sld [smem:$0x3FDB];
	_ =	sdelay $0x1  }
0x99: {  	s4 =	simm.s32 $_scs_section_size  }
0x9a: {  	s5 =	simm.s32 $_size__tile_overlayer_lowered;
	s6 =	simm.s32 $_tile_overlayer_lowered  }
0x9b: {  	s22 =	simm.s32 $0x1BFF;
	s21 =	sshll.u32 s6, $0x1;
	s3 =	sadd.s32 s4, s19  }
0x9c: {  	s7 =	simm.s32 $0x0;
	s20 =	sshll.u32 s5, $0x1;
	s5 =	sadd.s32 s21, s3  }
0x9d: {  	[timem:s7], [sflag:s22] =	dma.local [hbm:s5], s20  }
0x9e: {  	_ =	swait.ge [sflag:s22], s20  }
0x9f: {  	s4 =	ssub.s32 $0x0, s20;
	[sflag:s22] =	ssyncset.done $0x0  }
0xa0: {  	[sflag:s22] =	ssyncadd.s32 s4;
	_ =	sdelay $0x1  }
0xa1: {  	s23 =	simm.s32 $0x1B8B  }
0xa2: {  	_ =	swait.ge [sflag:s23], $0x1  }
0xa3: {  	[sflag:s23] =	ssyncset.done $0x0  }
0xa4: {  	s25 =	simm.s32 $0x1B8E;
	s24 =	sld [smem:$0x3FFE];
	[sflag:s23] =	ssyncadd.s32 $0xFFFFFFFF  }
0xa5: {  	s26 =	simm.s32 $execute0_lowered;
	[smem:$0x3FD2] =	sst s25  }
0xa6: {  	s5 =	sshll.u32 s26, $0x1;
	_ =	strace $0x80000046;
	[dreg:$0x1] =	wrdreg $0xFFFFFFFF  }
0xa7: {  	s28 =	simm.s32 $_size_execute0_lowered;
	s3 =	sadd.s32 s3, s5;
	[dreg:$0x0] =	wrdreg $0x0  }
0xa8: {  	s5 =	sshll.u32 s28, $0x1;
	[dreg:$0x2] =	wrdreg s3  }
0xa9: {  	[dreg:$0x3] =	wrdreg s5  }
0xaa: {  	[dreg:$0x4] =	wrdreg $0xC0  }
0xab: {  	_ =	task [dreg:s7], $0x5FFFF  }
0xac: {  	[dreg:$0x1] =	wrdreg $0xFFFFFFFF  }
0xad: {  	[dreg:$0x0] =	wrdreg $0x60  }
0xae: {  	[dreg:$0x2] =	wrdreg s24  }
0xaf: {  	[dreg:$0x3] =	wrdreg s2  }
0xb0: {  	[dreg:$0x4] =	wrdreg $0x9  }
0xb1: {  	_ =	task.clear_ibuf [dreg:s7], $0x5FFFF;
	_ =	strace $0x90000046  }
0xb2: {  	s29 =	simm.s32 $0x9;
	_ =	strace $0x80000048  }
0xb3: {  	_ =	swait.ge [sflag:s29], $0x1  }
0xb4: {  	[sflag:s29] =	ssyncadd.s32 $0xFFFFFFFF  }
0xb5: {  	_ =	strace $0x90000048  }
0xb6: {  	_ =	sfence  }
0xb7: {  	s30 =	sld [smem:$0x0];
	_ =	sdelay $0x2  }
0xb8: {  	s31 =	sshll.u32 s1, $0xD;
	s1 =	sshrl.u32 s1, $0x2  }
0xb9: {  	s3 =	sand.u32 $0x4000, s31;
	s1 =	sadd.s32 s1, s30  }
0xba: {  	s0 =	sor.u32 s3, s0;
	s1 =	sshll.u32 s1, $0x11  }
0xbb: {  	s0 =	sor.u32 s1, s0  }
0xbc: {  	s0 =	sadd.s32 $0x8F2B, s0  }
0xbd: {  	[sflag:s0] =	ssyncadd.remote.s32 $0x1  }
0xbe: {  	_ =	sfence.sel $0xFFFF  }
0xbf: {  	[dreg:$0x0] =	wrdreg $0xFFFFFFFF;
	(pc) =	sbr.abs _section_cstart, $3  }
0xc0: {  	[dreg:$0x1] =	wrdreg $0xFFFFFFFF  }
0xc1: {  	_ =	task.clear_ibuf [dreg:s7], $0x2FFFF;
	_ =	strace $0x9FFFFFFF  }
0xc2: {  	(tm) =	ssettm $0x7FFFFFFF  }
0xc3: {  	_ =	shalt  }
tec
execute0_lowered:
.L_overlay_start_1:
0x0: {  	(tag) =	ssettag $0x1  }
0x1: {  	s1 =	srdreg.scid;
	s0 =	stileid.u32  }
0x2: {  	s30 =	sand.u32 $0x1, s1;
	s26 =	sshll.u32 s0, $0x1  }
0x3: {  	s12 =	sor.u32 s30, s26  }
0x4: {  	s11 =	rddreg [dreg:$0x0];
	s29 =	smul.u32 $0x1400, s12  }
0x5: {  	s28 =	rddreg [dreg:$0x1];
	s2 =	simm.s32 $0x0  }
0x6: {  	[smem:$0x7FF] =	sst s2;
	s3 =	sshrl.u32 s29, $0x3  }
0x7: {  	_ =	strace $0x80000047;
	s4 =	sadd.s32 s28, s3;
	s3 =	simm.s32 $0x3  }
0x8: {  	[tilespmem:s2], [sflag:$0x3] =	stream.linear.gather [hbm4b:s4+s2], $0x200, $0x38;
	[tilespmem:$0x10400] =	vst v63  }
0x9: {  	s6 =	simm.s32 $0x200;
	_ =	swait.ge [sflag:s3], $0x200  }
0xa: {  	s7 =	simm.s32 $0x400;
	s14 =	sor.u32 $0x200, s29;
	[sflag:s3] =	ssyncset.done $0x0  }
0xb: {  	s5 =	sadd.s32 $0x30D600, s11;
	s8 =	sshrl.u32 s14, $0x3;
	[sflag:s3] =	ssyncadd.s32 $0xFFFFFE00  }
0xc: {  	[tilespmem:s7], [sflag:$0x1] =	stream.indirect.gather [hbm4b:s5+s6], $0x40, s2, s6, $0xb8;
	[tilespmem:$0x10400] =	vst v63  }
0xd: {  	s8 =	sadd.s32 s28, s8  }
0xe: {  	[tilespmem:s6], [sflag:$0x3] =	stream.linear.gather [hbm4b:s8+s2], $0x200, $0x38;
	[tilespmem:$0x10400] =	vst v63  }
0xf: {  	_ =	swait.ge [sflag:s3], $0x200  }
0x10: {  	[sflag:s3] =	ssyncset.done $0x0  }
0x11: {  	s9 =	simm.s32 $0x8400;
	s10 =	simm.s32 $0x1;
	[sflag:s3] =	ssyncadd.s32 $0xFFFFFE00  }
0x12: {  	[tilespmem:s9], [sflag:$0x2] =	stream.indirect.gather [hbm4b:s5+s6], $0x40, s6, s6, $0xb8;
	[tilespmem:$0x10400] =	vst v63  }
0x13: {  	s12 =	smul.u32 $0xA000, s12;
	_ =	swait.ge [sflag:s10], $0x8000  }
0x14: {  	s31 =	sadd.s32 $0x186C00, s11;
	[sflag:s10] =	ssyncset.done $0x0  }
0x15: {  	s11 =	sadd.s32 s31, s12;
	[sflag:s10] =	ssyncadd.s32 $0xFFFF8000  }
0x16: {  	[hbm4b:s11+s2] =	stream.linear.scatter [tilespmem:s7], [sflag:$0x3], $0x8000, $0x38;
	[tilespmem:$0x10400] =	vst v63  }
0x17: {  	s16 =	sadd.s32 $0x400, s29;
	_ =	swait.ge [sflag:s3], $0x8000  }
0x18: {  	s0 =	sshrl.u32 s16, $0x3;
	[sflag:s3] =	ssyncset.done $0x0  }
0x19: {  	s12 =	sadd.s32 s28, s0;
	[sflag:s3] =	ssyncadd.s32 $0xFFFF8000  }
0x1a: {  	[tilespmem:s2], [sflag:$0x3] =	stream.linear.gather [hbm4b:s12+s2], $0x200, $0x38;
	[tilespmem:$0x10400] =	vst v63  }
0x1b: {  	_ =	swait.ge [sflag:s3], $0x200  }
0x1c: {  	[sflag:s3] =	ssyncset.done $0x0  }
0x1d: {  	s13 =	simm.s32 $0x2;
	[sflag:s3] =	ssyncadd.s32 $0xFFFFFE00  }
0x1e: {  	[tilespmem:s7], [sflag:$0x1] =	stream.indirect.gather [hbm4b:s5+s6], $0x40, s2, s6, $0xb8;
	[tilespmem:$0x10400] =	vst v63  }
0x1f: {  	_ =	swait.ge [sflag:s13], $0x8000  }
0x20: {  	s14 =	sshll.u32 s14, $0x3;
	[sflag:s13] =	ssyncset.done $0x0  }
0x21: {  	s14 =	sadd.s32 s31, s14;
	[sflag:s13] =	ssyncadd.s32 $0xFFFF8000  }
0x22: {  	[hbm4b:s14+s2] =	stream.linear.scatter [tilespmem:s9], [sflag:$0x3], $0x8000, $0x38;
	[tilespmem:$0x10400] =	vst v63  }
0x23: {  	s18 =	sadd.s32 $0x600, s29;
	_ =	swait.ge [sflag:s3], $0x8000  }
0x24: {  	s15 =	sshrl.u32 s18, $0x3;
	[sflag:s3] =	ssyncset.done $0x0  }
0x25: {  	s15 =	sadd.s32 s28, s15;
	[sflag:s3] =	ssyncadd.s32 $0xFFFF8000  }
0x26: {  	[tilespmem:s6], [sflag:$0x3] =	stream.linear.gather [hbm4b:s15+s2], $0x200, $0x38;
	[tilespmem:$0x10400] =	vst v63  }
0x27: {  	_ =	swait.ge [sflag:s3], $0x200  }
0x28: {  	[sflag:s3] =	ssyncset.done $0x0  }
0x29: {  	[sflag:s3] =	ssyncadd.s32 $0xFFFFFE00  }
0x2a: {  	[tilespmem:s9], [sflag:$0x2] =	stream.indirect.gather [hbm4b:s5+s6], $0x40, s6, s6, $0xb8;
	[tilespmem:$0x10400] =	vst v63  }
0x2b: {  	_ =	swait.ge [sflag:s10], $0x8000  }
0x2c: {  	s16 =	sshll.u32 s16, $0x3;
	[sflag:s10] =	ssyncset.done $0x0  }
0x2d: {  	s16 =	sadd.s32 s31, s16;
	[sflag:s10] =	ssyncadd.s32 $0xFFFF8000  }
0x2e: {  	[hbm4b:s16+s2] =	stream.linear.scatter [tilespmem:s7], [sflag:$0x3], $0x8000, $0x38;
	[tilespmem:$0x10400] =	vst v63  }
0x2f: {  	s20 =	sadd.s32 $0x800, s29;
	_ =	swait.ge [sflag:s3], $0x8000  }
0x30: {  	s17 =	sshrl.u32 s20, $0x3;
	[sflag:s3] =	ssyncset.done $0x0  }
0x31: {  	s17 =	sadd.s32 s28, s17;
	[sflag:s3] =	ssyncadd.s32 $0xFFFF8000  }
0x32: {  	[tilespmem:s2], [sflag:$0x3] =	stream.linear.gather [hbm4b:s17+s2], $0x200, $0x38;
	[tilespmem:$0x10400] =	vst v63  }
0x33: {  	_ =	swait.ge [sflag:s3], $0x200  }
0x34: {  	[sflag:s3] =	ssyncset.done $0x0  }
0x35: {  	[sflag:s3] =	ssyncadd.s32 $0xFFFFFE00  }
0x36: {  	[tilespmem:s7], [sflag:$0x1] =	stream.indirect.gather [hbm4b:s5+s6], $0x40, s2, s6, $0xb8;
	[tilespmem:$0x10400] =	vst v63  }
0x37: {  	_ =	swait.ge [sflag:s13], $0x8000  }
0x38: {  	s18 =	sshll.u32 s18, $0x3;
	[sflag:s13] =	ssyncset.done $0x0  }
0x39: {  	s18 =	sadd.s32 s31, s18;
	[sflag:s13] =	ssyncadd.s32 $0xFFFF8000  }
0x3a: {  	[hbm4b:s18+s2] =	stream.linear.scatter [tilespmem:s9], [sflag:$0x3], $0x8000, $0x38;
	[tilespmem:$0x10400] =	vst v63  }
0x3b: {  	s22 =	sadd.s32 $0xA00, s29;
	_ =	swait.ge [sflag:s3], $0x8000  }
0x3c: {  	s19 =	sshrl.u32 s22, $0x3;
	[sflag:s3] =	ssyncset.done $0x0  }
0x3d: {  	s19 =	sadd.s32 s28, s19;
	[sflag:s3] =	ssyncadd.s32 $0xFFFF8000  }
0x3e: {  	[tilespmem:s6], [sflag:$0x3] =	stream.linear.gather [hbm4b:s19+s2], $0x200, $0x38;
	[tilespmem:$0x10400] =	vst v63  }
0x3f: {  	_ =	swait.ge [sflag:s3], $0x200  }
0x40: {  	[sflag:s3] =	ssyncset.done $0x0  }
0x41: {  	[sflag:s3] =	ssyncadd.s32 $0xFFFFFE00  }
0x42: {  	[tilespmem:s9], [sflag:$0x2] =	stream.indirect.gather [hbm4b:s5+s6], $0x40, s6, s6, $0xb8;
	[tilespmem:$0x10400] =	vst v63  }
0x43: {  	_ =	swait.ge [sflag:s10], $0x8000  }
0x44: {  	s20 =	sshll.u32 s20, $0x3;
	[sflag:s10] =	ssyncset.done $0x0  }
0x45: {  	s20 =	sadd.s32 s31, s20;
	[sflag:s10] =	ssyncadd.s32 $0xFFFF8000  }
0x46: {  	[hbm4b:s20+s2] =	stream.linear.scatter [tilespmem:s7], [sflag:$0x3], $0x8000, $0x38;
	[tilespmem:$0x10400] =	vst v63  }
0x47: {  	s24 =	sadd.s32 $0xC00, s29;
	_ =	swait.ge [sflag:s3], $0x8000  }
0x48: {  	s21 =	sshrl.u32 s24, $0x3;
	[sflag:s3] =	ssyncset.done $0x0  }
0x49: {  	s21 =	sadd.s32 s28, s21;
	[sflag:s3] =	ssyncadd.s32 $0xFFFF8000  }
0x4a: {  	[tilespmem:s2], [sflag:$0x3] =	stream.linear.gather [hbm4b:s21+s2], $0x200, $0x38;
	[tilespmem:$0x10400] =	vst v63  }
0x4b: {  	_ =	swait.ge [sflag:s3], $0x200  }
0x4c: {  	[sflag:s3] =	ssyncset.done $0x0  }
0x4d: {  	[sflag:s3] =	ssyncadd.s32 $0xFFFFFE00  }
0x4e: {  	[tilespmem:s7], [sflag:$0x1] =	stream.indirect.gather [hbm4b:s5+s6], $0x40, s2, s6, $0xb8;
	[tilespmem:$0x10400] =	vst v63  }
0x4f: {  	_ =	swait.ge [sflag:s13], $0x8000  }
0x50: {  	s22 =	sshll.u32 s22, $0x3;
	[sflag:s13] =	ssyncset.done $0x0  }
0x51: {  	s22 =	sadd.s32 s31, s22;
	[sflag:s13] =	ssyncadd.s32 $0xFFFF8000  }
0x52: {  	[hbm4b:s22+s2] =	stream.linear.scatter [tilespmem:s9], [sflag:$0x3], $0x8000, $0x38;
	[tilespmem:$0x10400] =	vst v63  }
0x53: {  	s26 =	sadd.s32 $0xE00, s29;
	_ =	swait.ge [sflag:s3], $0x8000  }
0x54: {  	s23 =	sshrl.u32 s26, $0x3;
	[sflag:s3] =	ssyncset.done $0x0  }
0x55: {  	s23 =	sadd.s32 s28, s23;
	[sflag:s3] =	ssyncadd.s32 $0xFFFF8000  }
0x56: {  	[tilespmem:s6], [sflag:$0x3] =	stream.linear.gather [hbm4b:s23+s2], $0x200, $0x38;
	[tilespmem:$0x10400] =	vst v63  }
0x57: {  	_ =	swait.ge [sflag:s3], $0x200  }
0x58: {  	[sflag:s3] =	ssyncset.done $0x0  }
0x59: {  	[sflag:s3] =	ssyncadd.s32 $0xFFFFFE00  }
0x5a: {  	[tilespmem:s9], [sflag:$0x2] =	stream.indirect.gather [hbm4b:s5+s6], $0x40, s6, s6, $0xb8;
	[tilespmem:$0x10400] =	vst v63  }
0x5b: {  	_ =	swait.ge [sflag:s10], $0x8000  }
0x5c: {  	s24 =	sshll.u32 s24, $0x3;
	[sflag:s10] =	ssyncset.done $0x0  }
0x5d: {  	s24 =	sadd.s32 s31, s24;
	[sflag:s10] =	ssyncadd.s32 $0xFFFF8000  }
0x5e: {  	[hbm4b:s24+s2] =	stream.linear.scatter [tilespmem:s7], [sflag:$0x3], $0x8000, $0x38;
	[tilespmem:$0x10400] =	vst v63  }
0x5f: {  	s1 =	sadd.s32 $0x1000, s29;
	_ =	swait.ge [sflag:s3], $0x8000  }
0x60: {  	s25 =	sshrl.u32 s1, $0x3;
	[sflag:s3] =	ssyncset.done $0x0  }
0x61: {  	s25 =	sadd.s32 s28, s25;
	[sflag:s3] =	ssyncadd.s32 $0xFFFF8000  }
0x62: {  	[tilespmem:s2], [sflag:$0x3] =	stream.linear.gather [hbm4b:s25+s2], $0x200, $0x38;
	[tilespmem:$0x10400] =	vst v63  }
0x63: {  	_ =	swait.ge [sflag:s3], $0x200  }
0x64: {  	[sflag:s3] =	ssyncset.done $0x0  }
0x65: {  	[sflag:s3] =	ssyncadd.s32 $0xFFFFFE00  }
0x66: {  	[tilespmem:s7], [sflag:$0x1] =	stream.indirect.gather [hbm4b:s5+s6], $0x40, s2, s6, $0xb8;
	[tilespmem:$0x10400] =	vst v63  }
0x67: {  	_ =	swait.ge [sflag:s13], $0x8000  }
0x68: {  	s26 =	sshll.u32 s26, $0x3;
	[sflag:s13] =	ssyncset.done $0x0  }
0x69: {  	s26 =	sadd.s32 s31, s26;
	[sflag:s13] =	ssyncadd.s32 $0xFFFF8000  }
0x6a: {  	[hbm4b:s26+s2] =	stream.linear.scatter [tilespmem:s9], [sflag:$0x3], $0x8000, $0x38;
	[tilespmem:$0x10400] =	vst v63  }
0x6b: {  	s0 =	sadd.s32 $0x1200, s29;
	_ =	swait.ge [sflag:s3], $0x8000  }
0x6c: {  	s29 =	sshrl.u32 s0, $0x3;
	[sflag:s3] =	ssyncset.done $0x0  }
0x6d: {  	s28 =	sadd.s32 s28, s29;
	[sflag:s3] =	ssyncadd.s32 $0xFFFF8000  }
0x6e: {  	[tilespmem:s6], [sflag:$0x3] =	stream.linear.gather [hbm4b:s28+s2], $0x200, $0x38;
	[tilespmem:$0x10400] =	vst v63  }
0x6f: {  	_ =	swait.ge [sflag:s3], $0x200  }
0x70: {  	[sflag:s3] =	ssyncset.done $0x0  }
0x71: {  	[sflag:s3] =	ssyncadd.s32 $0xFFFFFE00  }
0x72: {  	[tilespmem:s9], [sflag:$0x2] =	stream.indirect.gather [hbm4b:s5+s6], $0x40, s6, s6, $0xb8;
	[tilespmem:$0x10400] =	vst v63  }
0x73: {  	_ =	swait.ge [sflag:s10], $0x8000  }
0x74: {  	s1 =	sshll.u32 s1, $0x3;
	[sflag:s10] =	ssyncset.done $0x0  }
0x75: {  	s29 =	sadd.s32 s31, s1;
	s1 =	ssub.s32 $0x2, s30;
	[sflag:s10] =	ssyncadd.s32 $0xFFFF8000  }
0x76: {  	[hbm4b:s29+s2] =	stream.linear.scatter [tilespmem:s7], [sflag:$0x3], $0x8000, $0x38;
	[tilespmem:$0x10400] =	vst v63  }
0x77: {  	s30 =	sshrl.u32 s1, $0x1;
	_ =	swait.ge [sflag:s3], $0x8000  }
0x78: {  	s1 =	ssub.s32 s1, s30;
	[sflag:s3] =	ssyncset.done $0x0  }
0x79: {  	s1 =	smax.u32 s1, $0x1;
	[sflag:s3] =	ssyncadd.s32 $0xFFFF8000  }
0x7a: {  	p0 =	sne.s32 s1, $0x1;
	_ =	swait.ge [sflag:s13], $0x8000  }
.Ltmp0:
0x7b: {  	s0 =	sshll.u32 s0, $0x3;
	[sflag:s13] =	ssyncset.done $0x0;
	(pc) =	sbr.rel @!p0 .LBB2_2-.Ltmp0, $4  }
0x7c: {  	s30 =	sadd.s32 s31, s0;
	[sflag:s13] =	ssyncadd.s32 $0xFFFF8000  }
0x7d: {  	[hbm4b:s30+s2] =	stream.linear.scatter [tilespmem:s9], [sflag:$0x3], $0x8000, $0x38;
	[tilespmem:$0x10400] =	vst v63  }
0x7e: {  	_ =	swait.ge [sflag:s3], $0x8000  }
0x7f: {  	s31 =	sadd.s32 $0xFFFFFFFF, s1;
	[sflag:s3] =	ssyncset.done $0x0  }
.LBB2_1:
0x80: {  	p0 =	sne.s32 s31, $0x1;
	s31 =	sadd.s32 $0xFFFFFFFF, s31;
	[sflag:s3] =	ssyncadd.s32 $0xFFFF8000  }
0x81: {  	[tilespmem:s2], [sflag:$0x3] =	stream.linear.gather [hbm4b:s4+s2], $0x200, $0x38;
	[tilespmem:$0x10400] =	vst v63  }
0x82: {  	_ =	swait.ge [sflag:s3], $0x200  }
0x83: {  	[sflag:s3] =	ssyncset.done $0x0  }
0x84: {  	[sflag:s3] =	ssyncadd.s32 $0xFFFFFE00  }
0x85: {  	[tilespmem:s7], [sflag:$0x1] =	stream.indirect.gather [hbm4b:s5+s6], $0x40, s2, s6, $0xb8;
	[tilespmem:$0x10400] =	vst v63  }
0x86: {  	_ = 	snop  }
0x87: {  	[tilespmem:s6], [sflag:$0x3] =	stream.linear.gather [hbm4b:s8+s2], $0x200, $0x38;
	[tilespmem:$0x10400] =	vst v63  }
0x88: {  	_ =	swait.ge [sflag:s3], $0x200  }
0x89: {  	[sflag:s3] =	ssyncset.done $0x0  }
0x8a: {  	[sflag:s3] =	ssyncadd.s32 $0xFFFFFE00  }
0x8b: {  	[tilespmem:s9], [sflag:$0x2] =	stream.indirect.gather [hbm4b:s5+s6], $0x40, s6, s6, $0xb8;
	[tilespmem:$0x10400] =	vst v63  }
0x8c: {  	_ =	swait.ge [sflag:s10], $0x8000  }
0x8d: {  	[sflag:s10] =	ssyncset.done $0x0  }
0x8e: {  	[sflag:s10] =	ssyncadd.s32 $0xFFFF8000  }
0x8f: {  	[hbm4b:s11+s2] =	stream.linear.scatter [tilespmem:s7], [sflag:$0x3], $0x8000, $0x38;
	[tilespmem:$0x10400] =	vst v63  }
0x90: {  	_ =	swait.ge [sflag:s3], $0x8000  }
0x91: {  	[sflag:s3] =	ssyncset.done $0x0  }
0x92: {  	[sflag:s3] =	ssyncadd.s32 $0xFFFF8000  }
0x93: {  	[tilespmem:s2], [sflag:$0x3] =	stream.linear.gather [hbm4b:s12+s2], $0x200, $0x38;
	[tilespmem:$0x10400] =	vst v63  }
0x94: {  	_ =	swait.ge [sflag:s3], $0x200  }
0x95: {  	[sflag:s3] =	ssyncset.done $0x0  }
0x96: {  	[sflag:s3] =	ssyncadd.s32 $0xFFFFFE00  }
0x97: {  	[tilespmem:s7], [sflag:$0x1] =	stream.indirect.gather [hbm4b:s5+s6], $0x40, s2, s6, $0xb8;
	[tilespmem:$0x10400] =	vst v63  }
0x98: {  	_ =	swait.ge [sflag:s13], $0x8000  }
0x99: {  	[sflag:s13] =	ssyncset.done $0x0  }
0x9a: {  	[sflag:s13] =	ssyncadd.s32 $0xFFFF8000  }
0x9b: {  	[hbm4b:s14+s2] =	stream.linear.scatter [tilespmem:s9], [sflag:$0x3], $0x8000, $0x38;
	[tilespmem:$0x10400] =	vst v63  }
0x9c: {  	_ =	swait.ge [sflag:s3], $0x8000  }
0x9d: {  	[sflag:s3] =	ssyncset.done $0x0  }
0x9e: {  	[sflag:s3] =	ssyncadd.s32 $0xFFFF8000  }
0x9f: {  	[tilespmem:s6], [sflag:$0x3] =	stream.linear.gather [hbm4b:s15+s2], $0x200, $0x38;
	[tilespmem:$0x10400] =	vst v63  }
0xa0: {  	_ =	swait.ge [sflag:s3], $0x200  }
0xa1: {  	[sflag:s3] =	ssyncset.done $0x0  }
0xa2: {  	[sflag:s3] =	ssyncadd.s32 $0xFFFFFE00  }
0xa3: {  	[tilespmem:s9], [sflag:$0x2] =	stream.indirect.gather [hbm4b:s5+s6], $0x40, s6, s6, $0xb8;
	[tilespmem:$0x10400] =	vst v63  }
0xa4: {  	_ =	swait.ge [sflag:s10], $0x8000  }
0xa5: {  	[sflag:s10] =	ssyncset.done $0x0  }
0xa6: {  	[sflag:s10] =	ssyncadd.s32 $0xFFFF8000  }
0xa7: {  	[hbm4b:s16+s2] =	stream.linear.scatter [tilespmem:s7], [sflag:$0x3], $0x8000, $0x38;
	[tilespmem:$0x10400] =	vst v63  }
0xa8: {  	_ =	swait.ge [sflag:s3], $0x8000  }
0xa9: {  	[sflag:s3] =	ssyncset.done $0x0  }
0xaa: {  	[sflag:s3] =	ssyncadd.s32 $0xFFFF8000  }
0xab: {  	[tilespmem:s2], [sflag:$0x3] =	stream.linear.gather [hbm4b:s17+s2], $0x200, $0x38;
	[tilespmem:$0x10400] =	vst v63  }
0xac: {  	_ =	swait.ge [sflag:s3], $0x200  }
0xad: {  	[sflag:s3] =	ssyncset.done $0x0  }
0xae: {  	[sflag:s3] =	ssyncadd.s32 $0xFFFFFE00  }
0xaf: {  	[tilespmem:s7], [sflag:$0x1] =	stream.indirect.gather [hbm4b:s5+s6], $0x40, s2, s6, $0xb8;
	[tilespmem:$0x10400] =	vst v63  }
0xb0: {  	_ =	swait.ge [sflag:s13], $0x8000  }
0xb1: {  	[sflag:s13] =	ssyncset.done $0x0  }
0xb2: {  	[sflag:s13] =	ssyncadd.s32 $0xFFFF8000  }
0xb3: {  	[hbm4b:s18+s2] =	stream.linear.scatter [tilespmem:s9], [sflag:$0x3], $0x8000, $0x38;
	[tilespmem:$0x10400] =	vst v63  }
0xb4: {  	_ =	swait.ge [sflag:s3], $0x8000  }
0xb5: {  	[sflag:s3] =	ssyncset.done $0x0  }
0xb6: {  	[sflag:s3] =	ssyncadd.s32 $0xFFFF8000  }
0xb7: {  	[tilespmem:s6], [sflag:$0x3] =	stream.linear.gather [hbm4b:s19+s2], $0x200, $0x38;
	[tilespmem:$0x10400] =	vst v63  }
0xb8: {  	_ =	swait.ge [sflag:s3], $0x200  }
0xb9: {  	[sflag:s3] =	ssyncset.done $0x0  }
0xba: {  	[sflag:s3] =	ssyncadd.s32 $0xFFFFFE00  }
0xbb: {  	[tilespmem:s9], [sflag:$0x2] =	stream.indirect.gather [hbm4b:s5+s6], $0x40, s6, s6, $0xb8;
	[tilespmem:$0x10400] =	vst v63  }
0xbc: {  	_ =	swait.ge [sflag:s10], $0x8000  }
0xbd: {  	[sflag:s10] =	ssyncset.done $0x0  }
0xbe: {  	[sflag:s10] =	ssyncadd.s32 $0xFFFF8000  }
0xbf: {  	[hbm4b:s20+s2] =	stream.linear.scatter [tilespmem:s7], [sflag:$0x3], $0x8000, $0x38;
	[tilespmem:$0x10400] =	vst v63  }
0xc0: {  	_ =	swait.ge [sflag:s3], $0x8000  }
0xc1: {  	[sflag:s3] =	ssyncset.done $0x0  }
0xc2: {  	[sflag:s3] =	ssyncadd.s32 $0xFFFF8000  }
0xc3: {  	[tilespmem:s2], [sflag:$0x3] =	stream.linear.gather [hbm4b:s21+s2], $0x200, $0x38;
	[tilespmem:$0x10400] =	vst v63  }
0xc4: {  	_ =	swait.ge [sflag:s3], $0x200  }
0xc5: {  	[sflag:s3] =	ssyncset.done $0x0  }
0xc6: {  	[sflag:s3] =	ssyncadd.s32 $0xFFFFFE00  }
0xc7: {  	[tilespmem:s7], [sflag:$0x1] =	stream.indirect.gather [hbm4b:s5+s6], $0x40, s2, s6, $0xb8;
	[tilespmem:$0x10400] =	vst v63  }
0xc8: {  	_ =	swait.ge [sflag:s13], $0x8000  }
0xc9: {  	[sflag:s13] =	ssyncset.done $0x0  }
0xca: {  	[sflag:s13] =	ssyncadd.s32 $0xFFFF8000  }
0xcb: {  	[hbm4b:s22+s2] =	stream.linear.scatter [tilespmem:s9], [sflag:$0x3], $0x8000, $0x38;
	[tilespmem:$0x10400] =	vst v63  }
0xcc: {  	_ =	swait.ge [sflag:s3], $0x8000  }
0xcd: {  	[sflag:s3] =	ssyncset.done $0x0  }
0xce: {  	[sflag:s3] =	ssyncadd.s32 $0xFFFF8000  }
0xcf: {  	[tilespmem:s6], [sflag:$0x3] =	stream.linear.gather [hbm4b:s23+s2], $0x200, $0x38;
	[tilespmem:$0x10400] =	vst v63  }
0xd0: {  	_ =	swait.ge [sflag:s3], $0x200  }
0xd1: {  	[sflag:s3] =	ssyncset.done $0x0  }
0xd2: {  	[sflag:s3] =	ssyncadd.s32 $0xFFFFFE00  }
0xd3: {  	[tilespmem:s9], [sflag:$0x2] =	stream.indirect.gather [hbm4b:s5+s6], $0x40, s6, s6, $0xb8;
	[tilespmem:$0x10400] =	vst v63  }
0xd4: {  	_ =	swait.ge [sflag:s10], $0x8000  }
0xd5: {  	[sflag:s10] =	ssyncset.done $0x0  }
0xd6: {  	[sflag:s10] =	ssyncadd.s32 $0xFFFF8000  }
0xd7: {  	[hbm4b:s24+s2] =	stream.linear.scatter [tilespmem:s7], [sflag:$0x3], $0x8000, $0x38;
	[tilespmem:$0x10400] =	vst v63  }
0xd8: {  	_ =	swait.ge [sflag:s3], $0x8000  }
0xd9: {  	[sflag:s3] =	ssyncset.done $0x0  }
0xda: {  	[sflag:s3] =	ssyncadd.s32 $0xFFFF8000  }
0xdb: {  	[tilespmem:s2], [sflag:$0x3] =	stream.linear.gather [hbm4b:s25+s2], $0x200, $0x38;
	[tilespmem:$0x10400] =	vst v63  }
0xdc: {  	_ =	swait.ge [sflag:s3], $0x200  }
0xdd: {  	[sflag:s3] =	ssyncset.done $0x0  }
0xde: {  	[sflag:s3] =	ssyncadd.s32 $0xFFFFFE00  }
0xdf: {  	[tilespmem:s7], [sflag:$0x1] =	stream.indirect.gather [hbm4b:s5+s6], $0x40, s2, s6, $0xb8;
	[tilespmem:$0x10400] =	vst v63  }
0xe0: {  	_ =	swait.ge [sflag:s13], $0x8000  }
0xe1: {  	[sflag:s13] =	ssyncset.done $0x0  }
0xe2: {  	[sflag:s13] =	ssyncadd.s32 $0xFFFF8000  }
0xe3: {  	[hbm4b:s26+s2] =	stream.linear.scatter [tilespmem:s9], [sflag:$0x3], $0x8000, $0x38;
	[tilespmem:$0x10400] =	vst v63  }
0xe4: {  	_ =	swait.ge [sflag:s3], $0x8000  }
0xe5: {  	[sflag:s3] =	ssyncset.done $0x0  }
0xe6: {  	[sflag:s3] =	ssyncadd.s32 $0xFFFF8000  }
0xe7: {  	[tilespmem:s6], [sflag:$0x3] =	stream.linear.gather [hbm4b:s28+s2], $0x200, $0x38;
	[tilespmem:$0x10400] =	vst v63  }
0xe8: {  	_ =	swait.ge [sflag:s3], $0x200  }
0xe9: {  	[sflag:s3] =	ssyncset.done $0x0  }
0xea: {  	[sflag:s3] =	ssyncadd.s32 $0xFFFFFE00  }
0xeb: {  	[tilespmem:s9], [sflag:$0x2] =	stream.indirect.gather [hbm4b:s5+s6], $0x40, s6, s6, $0xb8;
	[tilespmem:$0x10400] =	vst v63  }
0xec: {  	_ =	swait.ge [sflag:s10], $0x8000  }
0xed: {  	[sflag:s10] =	ssyncset.done $0x0  }
0xee: {  	[sflag:s10] =	ssyncadd.s32 $0xFFFF8000  }
0xef: {  	[hbm4b:s29+s2] =	stream.linear.scatter [tilespmem:s7], [sflag:$0x3], $0x8000, $0x38;
	[tilespmem:$0x10400] =	vst v63  }
0xf0: {  	_ =	swait.ge [sflag:s3], $0x8000  }
0xf1: {  	[sflag:s3] =	ssyncset.done $0x0  }
0xf2: {  	[sflag:s3] =	ssyncadd.s32 $0xFFFF8000  }
0xf3: {  	_ =	swait.ge [sflag:s13], $0x8000  }
.Ltmp1:
0xf4: {  	[sflag:s13] =	ssyncset.done $0x0;
	(pc) =	sbr.rel @p0 .LBB2_1-.Ltmp1, $4  }
0xf5: {  	[sflag:s13] =	ssyncadd.s32 $0xFFFF8000  }
0xf6: {  	[hbm4b:s30+s2] =	stream.linear.scatter [tilespmem:s9], [sflag:$0x3], $0x8000, $0x38;
	[tilespmem:$0x10400] =	vst v63  }
0xf7: {  	_ =	swait.ge [sflag:s3], $0x8000  }
0xf8: {  	[sflag:s3] =	ssyncset.done $0x0  }
.LBB2_2:
0xf9: {  	[sflag:s3] =	ssyncadd.s32 $0xFFFF8000  }
0xfa: {  	_ =	sfence.sel $0x180000  }
0xfb: {  	[bflag:$0x0] =	sbarrier.arrive $0xFFFF  }
0xfc: {  	_ =	strace $0x90000047  }
0xfd: {  	s0 =	stileid.u32;
	[bflag:$0x2] =	sbarrier.arrive $0xFFFF  }
0xfe: {  	p0 =	sne.s32 s0, $0x0;
	s0 =	rddreg [dreg:$0x2]  }
0xff: {  	s0 =	sadd.s32 @!p0 $0x100000, s0  }
0x100: {  	[sflag:s0] =	ssyncadd.tile.s32 @!p0 $0x1;
	_ =	shalt  }
.Lfunc_end2:
_tile_overlayer_lowered:
.L_overlay_start_2:
0x101: {  	(tag) =	ssettag $0x2  }
0x102: {  	s0 =	rddreg [dreg:$0x0];
	s2 =	stileid.u32  }
0x103: {  	s1 =	rddreg [dreg:$0x1];
	p0 =	sne.s32 s2, $0x0  }
0x104: {  	s3 =	rddreg [dreg:$0x2];
	[bflag:$0x3] =	sbarrier.arrive $0xFFFF;
	s2 =	simm.s32 @!p0 $0x1C03  }
0x105: {  	[timem:s3], [sflag:s2] =	dma.local @!p0 [hbm:s0], s1  }
0x106: {  	s0 =	simm.s32 @!p0 $0x3  }
0x107: {  	_ =	swait.ge @!p0 [sflag:s0], s1  }
0x108: {  	s1 =	ssub.s32 @!p0 $0x0, s1;
	[sflag:s0] =	ssyncset.done @!p0 $0x0  }
0x109: {  	[sflag:s0] =	ssyncadd.s32 @!p0 s1  }
0x10a: {  	[bflag:$0x3] =	sbarrier.arrive $0xFFFF  }
0x10b: {  	_ =	shalt  }

</sc_bundles>
